<compile_context>
chip_gen: v7x
topology: tpu7x:2x2x1
jax: 0.10.2.dev20260603
libtpu: 0.0.44.dev20260713+nightly
codegen_flags: <defaults>
</compile_context>

<pallas_src>
import jax
import jax.numpy as jnp
from jax import lax
from jax.experimental import pallas as pl
from jax.experimental.pallas import tpu as pltpu
from jax.experimental.pallas import tpu_sc as plsc

VOCAB = 1000000
EMB = 32
BATCH = 16384

NC = 2
NS = 16
L = 16
NW = NC * NS
BPW = BATCH // NW
CHUNK = 128
NCH = BPW // CHUNK
G = BPW // L


def _sc_body(c_hbm, t_hbm, co_hbm, wt_hbm, v_hbm, u_hbm, vb_hbm, ub_hbm,
             out_hbm, idx_c, idx_t, rows_v, rows_u, vbv, ubv, cov, wtv,
             accv, sem):
    wid = lax.axis_index("s") * NC + lax.axis_index("c")

    pltpu.sync_copy(c_hbm.at[wid], idx_c)
    pltpu.sync_copy(t_hbm.at[wid], idx_t)

    copies = []
    for j in range(NCH):
        sl = pl.ds(j * CHUNK, CHUNK)
        copies.append(pltpu.async_copy(v_hbm.at[idx_c.at[j]], rows_v.at[sl], sem))
        copies.append(pltpu.async_copy(u_hbm.at[idx_t.at[j]], rows_u.at[sl], sem))
        copies.append(pltpu.async_copy(vb_hbm.at[idx_c.at[j]], vbv.at[sl], sem))
        copies.append(pltpu.async_copy(ub_hbm.at[idx_t.at[j]], ubv.at[sl], sem))
    copies.append(pltpu.async_copy(co_hbm.at[wid], cov, sem))
    copies.append(pltpu.async_copy(wt_hbm.at[wid], wtv, sem))
    for cp in copies:
        cp.wait()

    def body(g, lacc):
        rows16 = g * L + lax.iota(jnp.int32, L)
        acc = jnp.zeros((L,), jnp.float32)
        for d in range(EMB):
            col = jnp.full((L,), d, jnp.int32)
            vd = plsc.load_gather(rows_v, [rows16, col])
            ud = plsc.load_gather(rows_u, [rows16, col])
            acc = acc + vd * ud
        sl = pl.ds(g * L, L)
        r = acc + vbv[sl] + ubv[sl] - cov[sl]
        return lacc + wtv[sl] * r * r

    accv[...] = lax.fori_loop(0, G, body, jnp.zeros((L,), jnp.float32))
    pltpu.sync_copy(accv, out_hbm.at[wid])


@jax.jit
def _sc_partials(c, t, co, wt, v_embed, u_embed, vb, ub):
    mesh = plsc.VectorSubcoreMesh(core_axis_name="c", subcore_axis_name="s")
    return pl.kernel(
        _sc_body,
        mesh=mesh,
        compiler_params=pltpu.CompilerParams(
            needs_layout_passes=False, use_tc_tiling_on_sc=False),
        out_type=jax.ShapeDtypeStruct((NW, L), jnp.float32),
        scratch_types=[
            pltpu.VMEM((NCH, CHUNK), jnp.int32),
            pltpu.VMEM((NCH, CHUNK), jnp.int32),
            pltpu.VMEM((BPW, EMB), jnp.float32),
            pltpu.VMEM((BPW, EMB), jnp.float32),
            pltpu.VMEM((BPW,), jnp.float32),
            pltpu.VMEM((BPW,), jnp.float32),
            pltpu.VMEM((BPW,), jnp.float32),
            pltpu.VMEM((BPW,), jnp.float32),
            pltpu.VMEM((L,), jnp.float32),
            pltpu.SemaphoreType.DMA,
        ],
    )(c, t, co, wt, v_embed, u_embed, vb, ub)


def _finish_body(x_ref, o_ref):
    o_ref[...] = jnp.sum(x_ref[...])[None, None]


def _finish(partials):
    return pl.pallas_call(
        _finish_body,
        out_shape=jax.ShapeDtypeStruct((1, 1), jnp.float32),
    )(partials)


def kernel(center_words, target_words, coocs, weighting, v_embed, u_embed,
           v_bias, u_bias):
    c = center_words.astype(jnp.int32).reshape(NW, NCH, CHUNK)
    t = target_words.astype(jnp.int32).reshape(NW, NCH, CHUNK)
    co = coocs.reshape(NW, BPW)
    wt = weighting.reshape(NW, BPW)
    vb = v_bias.reshape(VOCAB)
    ub = u_bias.reshape(VOCAB)
    partials = _sc_partials(c, t, co, wt, v_embed, u_embed, vb, ub)
    return _finish(partials)[0, 0]

# --- scband reference (transcript-rebuilt; emitter-appended) ---
"""Pipeline reference for scband-glo-ve-model-37735582663262 (READ-ONLY COPY).

The authoritative reference and input builder live on the scoring server;
editing this copy changes nothing except your own understanding.
"""

import jax, jax.numpy as jnp
import numpy as np

VOCAB = 1000000
EMB = 32
BATCH = 16384

def setup_inputs(seed: int = 0) -> dict:
    key = jax.random.key(seed)
    k1, k2, k3, k4, k5, k6, k7, k8 = jax.random.split(key, 8)
    center_words = jax.random.randint(k1, (BATCH,), 0, VOCAB, dtype=jnp.int64) if jax.config.jax_enable_x64 else jax.random.randint(k1, (BATCH,), 0, VOCAB).astype(jnp.int32)
    target_words = jax.random.randint(k2, (BATCH,), 0, VOCAB).astype(center_words.dtype)
    coocs = jax.random.uniform(k3, (BATCH,), dtype=jnp.float32)
    weighting = jax.random.uniform(k4, (BATCH,), dtype=jnp.float32)
    v_embed = jax.random.normal(k5, (VOCAB, EMB), dtype=jnp.float32) * 0.02
    u_embed = jax.random.normal(k6, (VOCAB, EMB), dtype=jnp.float32) * 0.02
    v_bias = jax.random.normal(k7, (VOCAB, 1), dtype=jnp.float32) * 0.02
    u_bias = jax.random.normal(k8, (VOCAB, 1), dtype=jnp.float32) * 0.02
    return {"center_words": center_words, "target_words": target_words, "coocs": coocs,
            "weighting": weighting, "v_embed": v_embed, "u_embed": u_embed,
            "v_bias": v_bias, "u_bias": u_bias}

def reference(center_words, target_words, coocs, weighting, v_embed, u_embed, v_bias, u_bias):
    v = jnp.take(v_embed, center_words, axis=0)
    u = jnp.take(u_embed, target_words, axis=0)
    vb = jnp.take(v_bias, center_words, axis=0)[:, 0]
    ub = jnp.take(u_bias, target_words, axis=0)[:, 0]
    inner_prod = jnp.sum(v * u, axis=1)
    loss = weighting * (inner_prod + vb + ub - coocs) ** 2
    return loss.sum()

if __name__ == "__main__":
    import jax
    _d = setup_inputs()
    print(jax.jit(kernel)(*tuple(_d.values())))

</pallas_src>

<mosaic_0001>
#map = affine_map<(d0, d1) -> (0, 0, 0)>
#map1 = affine_map<(d0, d1) -> (0, 0)>
#map2 = affine_map<(d0, d1) -> (0)>
module attributes {stable_mosaic.version = 14 : i64} {
  func.func @_sc_body(%arg0: i32, %arg1: i32, %arg2: memref<32x4x128xi32, #tpu.memory_space<hbm>>, %arg3: memref<32x4x128xi32, #tpu.memory_space<hbm>>, %arg4: memref<32x512xf32, #tpu.memory_space<hbm>>, %arg5: memref<32x512xf32, #tpu.memory_space<hbm>>, %arg6: memref<1000000x32xf32, #tpu.memory_space<hbm>>, %arg7: memref<1000000x32xf32, #tpu.memory_space<hbm>>, %arg8: memref<1000000xf32, #tpu.memory_space<hbm>>, %arg9: memref<1000000xf32, #tpu.memory_space<hbm>>, %arg10: memref<32x16xf32, #tpu.memory_space<hbm>>, %arg11: memref<4x128xi32, #tpu.memory_space<vmem>>, %arg12: memref<4x128xi32, #tpu.memory_space<vmem>>, %arg13: memref<512x32xf32, #tpu.memory_space<vmem>>, %arg14: memref<512x32xf32, #tpu.memory_space<vmem>>, %arg15: memref<512xf32, #tpu.memory_space<vmem>>, %arg16: memref<512xf32, #tpu.memory_space<vmem>>, %arg17: memref<512xf32, #tpu.memory_space<vmem>>, %arg18: memref<512xf32, #tpu.memory_space<vmem>>, %arg19: memref<16xf32, #tpu.memory_space<vmem>>, %arg20: memref<!tpu.dma_semaphore, #tpu.memory_space<semaphore_mem>>) attributes {dimension_semantics = [#tpu.dimension_semantics<core_parallel>, #tpu.dimension_semantics<subcore_parallel>], iteration_bounds = array<i64: 2, 16>, scalar_prefetch = 0 : i64, scratch_operands = 10 : i64, tpu.core_type = #tpu.core_type<sc_vector_subcore>, window_params = [{transform_indices = #map}, {transform_indices = #map}, {transform_indices = #map1}, {transform_indices = #map1}, {transform_indices = #map1}, {transform_indices = #map1}, {transform_indices = #map2}, {transform_indices = #map2}, {transform_indices = #map1}]} {
    %mul3A = arith.constant 2 : i32
    %mul3A_0 = arith.muli %arg1, %mul3A : i32
    %add3A = arith.addi %mul3A_0, %arg0 : i32
    "tpu.region"() ({
      %run_scoped3A = tpu.sem_alloc : memref<!tpu.dma_semaphore, #tpu.memory_space<semaphore_mem>>
      %dma_start3A_318 = arith.constant 0 : i32
      %dma_start3A_319 = arith.constant 0 : i32
      %dma_start3A_320 = tpu.memref_slice %arg2[%add3A, %dma_start3A_318, %dma_start3A_319] : memref<32x4x128xi32, #tpu.memory_space<hbm>> -> memref<1x4x128xi32, #tpu.memory_space<hbm>>
      %dma_start3A_321 = tpu.memref_squeeze %dma_start3A_320 : memref<1x4x128xi32, #tpu.memory_space<hbm>> -> memref<4x128xi32, #tpu.memory_space<hbm>>
      %dma_start3A_322 = arith.constant 0 : i32
      %dma_start3A_323 = arith.constant 0 : i32
      %dma_start3A_324 = tpu.memref_slice %arg2[%add3A, %dma_start3A_322, %dma_start3A_323] : memref<32x4x128xi32, #tpu.memory_space<hbm>> -> memref<1x4x128xi32, #tpu.memory_space<hbm>>
      %dma_start3A_325 = tpu.memref_squeeze %dma_start3A_324 : memref<1x4x128xi32, #tpu.memory_space<hbm>> -> memref<4x128xi32, #tpu.memory_space<hbm>>
      tpu.enqueue_dma source(%dma_start3A_325 : memref<4x128xi32, #tpu.memory_space<hbm>>) target(%arg11 : memref<4x128xi32, #tpu.memory_space<vmem>>) target_semaphore(%run_scoped3A : memref<!tpu.dma_semaphore, #tpu.memory_space<semaphore_mem>>)
      %dma_wait3A_326 = arith.constant 0 : i32
      %dma_wait3A_327 = arith.constant 0 : i32
      %dma_wait3A_328 = tpu.memref_slice %arg2[%add3A, %dma_wait3A_326, %dma_wait3A_327] : memref<32x4x128xi32, #tpu.memory_space<hbm>> -> memref<1x4x128xi32, #tpu.memory_space<hbm>>
      %dma_wait3A_329 = tpu.memref_squeeze %dma_wait3A_328 : memref<1x4x128xi32, #tpu.memory_space<hbm>> -> memref<4x128xi32, #tpu.memory_space<hbm>>
      %dma_wait3A_330 = arith.constant 0 : i32
      %dma_wait3A_331 = arith.constant 0 : i32
      %dma_wait3A_332 = tpu.memref_slice %arg2[%add3A, %dma_wait3A_330, %dma_wait3A_331] : memref<32x4x128xi32, #tpu.memory_space<hbm>> -> memref<1x4x128xi32, #tpu.memory_space<hbm>>
      %dma_wait3A_333 = tpu.memref_squeeze %dma_wait3A_332 : memref<1x4x128xi32, #tpu.memory_space<hbm>> -> memref<4x128xi32, #tpu.memory_space<hbm>>
      tpu.wait_dma2 semaphore(%run_scoped3A : memref<!tpu.dma_semaphore, #tpu.memory_space<semaphore_mem>>) src(%dma_wait3A_333 : memref<4x128xi32, #tpu.memory_space<hbm>>) dst(%arg11 : memref<4x128xi32, #tpu.memory_space<vmem>>)
      tpu.yield
    }) : () -> ()
    "tpu.region"() ({
      %run_scoped3A = tpu.sem_alloc : memref<!tpu.dma_semaphore, #tpu.memory_space<semaphore_mem>>
      %dma_start3A_318 = arith.constant 0 : i32
      %dma_start3A_319 = arith.constant 0 : i32
      %dma_start3A_320 = tpu.memref_slice %arg3[%add3A, %dma_start3A_318, %dma_start3A_319] : memref<32x4x128xi32, #tpu.memory_space<hbm>> -> memref<1x4x128xi32, #tpu.memory_space<hbm>>
      %dma_start3A_321 = tpu.memref_squeeze %dma_start3A_320 : memref<1x4x128xi32, #tpu.memory_space<hbm>> -> memref<4x128xi32, #tpu.memory_space<hbm>>
      %dma_start3A_322 = arith.constant 0 : i32
      %dma_start3A_323 = arith.constant 0 : i32
      %dma_start3A_324 = tpu.memref_slice %arg3[%add3A, %dma_start3A_322, %dma_start3A_323] : memref<32x4x128xi32, #tpu.memory_space<hbm>> -> memref<1x4x128xi32, #tpu.memory_space<hbm>>
      %dma_start3A_325 = tpu.memref_squeeze %dma_start3A_324 : memref<1x4x128xi32, #tpu.memory_space<hbm>> -> memref<4x128xi32, #tpu.memory_space<hbm>>
      tpu.enqueue_dma source(%dma_start3A_325 : memref<4x128xi32, #tpu.memory_space<hbm>>) target(%arg12 : memref<4x128xi32, #tpu.memory_space<vmem>>) target_semaphore(%run_scoped3A : memref<!tpu.dma_semaphore, #tpu.memory_space<semaphore_mem>>)
      %dma_wait3A_326 = arith.constant 0 : i32
      %dma_wait3A_327 = arith.constant 0 : i32
      %dma_wait3A_328 = tpu.memref_slice %arg3[%add3A, %dma_wait3A_326, %dma_wait3A_327] : memref<32x4x128xi32, #tpu.memory_space<hbm>> -> memref<1x4x128xi32, #tpu.memory_space<hbm>>
      %dma_wait3A_329 = tpu.memref_squeeze %dma_wait3A_328 : memref<1x4x128xi32, #tpu.memory_space<hbm>> -> memref<4x128xi32, #tpu.memory_space<hbm>>
      %dma_wait3A_330 = arith.constant 0 : i32
      %dma_wait3A_331 = arith.constant 0 : i32
      %dma_wait3A_332 = tpu.memref_slice %arg3[%add3A, %dma_wait3A_330, %dma_wait3A_331] : memref<32x4x128xi32, #tpu.memory_space<hbm>> -> memref<1x4x128xi32, #tpu.memory_space<hbm>>
      %dma_wait3A_333 = tpu.memref_squeeze %dma_wait3A_332 : memref<1x4x128xi32, #tpu.memory_space<hbm>> -> memref<4x128xi32, #tpu.memory_space<hbm>>
      tpu.wait_dma2 semaphore(%run_scoped3A : memref<!tpu.dma_semaphore, #tpu.memory_space<semaphore_mem>>) src(%dma_wait3A_333 : memref<4x128xi32, #tpu.memory_space<hbm>>) dst(%arg12 : memref<4x128xi32, #tpu.memory_space<vmem>>)
      tpu.yield
    }) : () -> ()
    %dma_start3A = arith.constant 0 : i32
    %dma_start3A_1 = arith.constant 0 : i32
    %dma_start3A_2 = arith.constant 0 : i32
    %dma_start3A_3 = tpu.memref_slice %arg13[%dma_start3A_1, %dma_start3A_2] : memref<512x32xf32, #tpu.memory_space<vmem>> -> memref<128x32xf32, #tpu.memory_space<vmem>>
    %dma_start3A_4 = arith.constant 0 : i32
    %dma_start3A_5 = tpu.memref_slice %arg11[%dma_start3A, %dma_start3A_4] : memref<4x128xi32, #tpu.memory_space<vmem>> -> memref<1x128xi32, #tpu.memory_space<vmem>>
    %dma_start3A_6 = tpu.memref_squeeze %dma_start3A_5 : memref<1x128xi32, #tpu.memory_space<vmem>> -> memref<128xi32, #tpu.memory_space<vmem>>
    %dma_start3A_7 = arith.constant 0 : i32
    %dma_start3A_8 = arith.constant 0 : i32
    %dma_start3A_9 = tpu.memref_slice %arg6[%dma_start3A_7, %dma_start3A_8] : memref<1000000x32xf32, #tpu.memory_space<hbm>> -> memref<1000000x32xf32, #tpu.memory_space<hbm>>
    tpu.enqueue_indirect_dma source(%dma_start3A_9 : memref<1000000x32xf32, #tpu.memory_space<hbm>>) target(%dma_start3A_3 : memref<128x32xf32, #tpu.memory_space<vmem>>) offsets(%dma_start3A_6 : memref<128xi32, #tpu.memory_space<vmem>>) semaphore(%arg20 : memref<!tpu.dma_semaphore, #tpu.memory_space<semaphore_mem>>)
    %dma_start3A_10 = arith.constant 0 : i32
    %dma_start3A_11 = arith.constant 0 : i32
    %dma_start3A_12 = arith.constant 0 : i32
    %dma_start3A_13 = tpu.memref_slice %arg14[%dma_start3A_11, %dma_start3A_12] : memref<512x32xf32, #tpu.memory_space<vmem>> -> memref<128x32xf32, #tpu.memory_space<vmem>>
    %dma_start3A_14 = arith.constant 0 : i32
    %dma_start3A_15 = tpu.memref_slice %arg12[%dma_start3A_10, %dma_start3A_14] : memref<4x128xi32, #tpu.memory_space<vmem>> -> memref<1x128xi32, #tpu.memory_space<vmem>>
    %dma_start3A_16 = tpu.memref_squeeze %dma_start3A_15 : memref<1x128xi32, #tpu.memory_space<vmem>> -> memref<128xi32, #tpu.memory_space<vmem>>
    %dma_start3A_17 = arith.constant 0 : i32
    %dma_start3A_18 = arith.constant 0 : i32
    %dma_start3A_19 = tpu.memref_slice %arg7[%dma_start3A_17, %dma_start3A_18] : memref<1000000x32xf32, #tpu.memory_space<hbm>> -> memref<1000000x32xf32, #tpu.memory_space<hbm>>
    tpu.enqueue_indirect_dma source(%dma_start3A_19 : memref<1000000x32xf32, #tpu.memory_space<hbm>>) target(%dma_start3A_13 : memref<128x32xf32, #tpu.memory_space<vmem>>) offsets(%dma_start3A_16 : memref<128xi32, #tpu.memory_space<vmem>>) semaphore(%arg20 : memref<!tpu.dma_semaphore, #tpu.memory_space<semaphore_mem>>)
    %dma_start3A_20 = arith.constant 0 : i32
    %dma_start3A_21 = arith.constant 0 : i32
    %dma_start3A_22 = tpu.memref_slice %arg15[%dma_start3A_21] : memref<512xf32, #tpu.memory_space<vmem>> -> memref<128xf32, #tpu.memory_space<vmem>>
    %dma_start3A_23 = arith.constant 0 : i32
    %dma_start3A_24 = tpu.memref_slice %arg11[%dma_start3A_20, %dma_start3A_23] : memref<4x128xi32, #tpu.memory_space<vmem>> -> memref<1x128xi32, #tpu.memory_space<vmem>>
    %dma_start3A_25 = tpu.memref_squeeze %dma_start3A_24 : memref<1x128xi32, #tpu.memory_space<vmem>> -> memref<128xi32, #tpu.memory_space<vmem>>
    %dma_start3A_26 = arith.constant 0 : i32
    %dma_start3A_27 = tpu.memref_slice %arg8[%dma_start3A_26] : memref<1000000xf32, #tpu.memory_space<hbm>> -> memref<1000000xf32, #tpu.memory_space<hbm>>
    tpu.enqueue_indirect_dma source(%dma_start3A_27 : memref<1000000xf32, #tpu.memory_space<hbm>>) target(%dma_start3A_22 : memref<128xf32, #tpu.memory_space<vmem>>) offsets(%dma_start3A_25 : memref<128xi32, #tpu.memory_space<vmem>>) semaphore(%arg20 : memref<!tpu.dma_semaphore, #tpu.memory_space<semaphore_mem>>)
    %dma_start3A_28 = arith.constant 0 : i32
    %dma_start3A_29 = arith.constant 0 : i32
    %dma_start3A_30 = tpu.memref_slice %arg16[%dma_start3A_29] : memref<512xf32, #tpu.memory_space<vmem>> -> memref<128xf32, #tpu.memory_space<vmem>>
    %dma_start3A_31 = arith.constant 0 : i32
    %dma_start3A_32 = tpu.memref_slice %arg12[%dma_start3A_28, %dma_start3A_31] : memref<4x128xi32, #tpu.memory_space<vmem>> -> memref<1x128xi32, #tpu.memory_space<vmem>>
    %dma_start3A_33 = tpu.memref_squeeze %dma_start3A_32 : memref<1x128xi32, #tpu.memory_space<vmem>> -> memref<128xi32, #tpu.memory_space<vmem>>
    %dma_start3A_34 = arith.constant 0 : i32
    %dma_start3A_35 = tpu.memref_slice %arg9[%dma_start3A_34] : memref<1000000xf32, #tpu.memory_space<hbm>> -> memref<1000000xf32, #tpu.memory_space<hbm>>
    tpu.enqueue_indirect_dma source(%dma_start3A_35 : memref<1000000xf32, #tpu.memory_space<hbm>>) target(%dma_start3A_30 : memref<128xf32, #tpu.memory_space<vmem>>) offsets(%dma_start3A_33 : memref<128xi32, #tpu.memory_space<vmem>>) semaphore(%arg20 : memref<!tpu.dma_semaphore, #tpu.memory_space<semaphore_mem>>)
    %dma_start3A_36 = arith.constant 1 : i32
    %dma_start3A_37 = arith.constant 128 : i32
    %dma_start3A_38 = arith.constant 0 : i32
    %dma_start3A_39 = tpu.memref_slice %arg13[%dma_start3A_37, %dma_start3A_38] : memref<512x32xf32, #tpu.memory_space<vmem>> -> memref<128x32xf32, #tpu.memory_space<vmem>>
    %dma_start3A_40 = arith.constant 0 : i32
    %dma_start3A_41 = tpu.memref_slice %arg11[%dma_start3A_36, %dma_start3A_40] : memref<4x128xi32, #tpu.memory_space<vmem>> -> memref<1x128xi32, #tpu.memory_space<vmem>>
    %dma_start3A_42 = tpu.memref_squeeze %dma_start3A_41 : memref<1x128xi32, #tpu.memory_space<vmem>> -> memref<128xi32, #tpu.memory_space<vmem>>
    %dma_start3A_43 = arith.constant 0 : i32
    %dma_start3A_44 = arith.constant 0 : i32
    %dma_start3A_45 = tpu.memref_slice %arg6[%dma_start3A_43, %dma_start3A_44] : memref<1000000x32xf32, #tpu.memory_space<hbm>> -> memref<1000000x32xf32, #tpu.memory_space<hbm>>
    tpu.enqueue_indirect_dma source(%dma_start3A_45 : memref<1000000x32xf32, #tpu.memory_space<hbm>>) target(%dma_start3A_39 : memref<128x32xf32, #tpu.memory_space<vmem>>) offsets(%dma_start3A_42 : memref<128xi32, #tpu.memory_space<vmem>>) semaphore(%arg20 : memref<!tpu.dma_semaphore, #tpu.memory_space<semaphore_mem>>)
    %dma_start3A_46 = arith.constant 1 : i32
    %dma_start3A_47 = arith.constant 128 : i32
    %dma_start3A_48 = arith.constant 0 : i32
    %dma_start3A_49 = tpu.memref_slice %arg14[%dma_start3A_47, %dma_start3A_48] : memref<512x32xf32, #tpu.memory_space<vmem>> -> memref<128x32xf32, #tpu.memory_space<vmem>>
    %dma_start3A_50 = arith.constant 0 : i32
    %dma_start3A_51 = tpu.memref_slice %arg12[%dma_start3A_46, %dma_start3A_50] : memref<4x128xi32, #tpu.memory_space<vmem>> -> memref<1x128xi32, #tpu.memory_space<vmem>>
    %dma_start3A_52 = tpu.memref_squeeze %dma_start3A_51 : memref<1x128xi32, #tpu.memory_space<vmem>> -> memref<128xi32, #tpu.memory_space<vmem>>
    %dma_start3A_53 = arith.constant 0 : i32
    %dma_start3A_54 = arith.constant 0 : i32
    %dma_start3A_55 = tpu.memref_slice %arg7[%dma_start3A_53, %dma_start3A_54] : memref<1000000x32xf32, #tpu.memory_space<hbm>> -> memref<1000000x32xf32, #tpu.memory_space<hbm>>
    tpu.enqueue_indirect_dma source(%dma_start3A_55 : memref<1000000x32xf32, #tpu.memory_space<hbm>>) target(%dma_start3A_49 : memref<128x32xf32, #tpu.memory_space<vmem>>) offsets(%dma_start3A_52 : memref<128xi32, #tpu.memory_space<vmem>>) semaphore(%arg20 : memref<!tpu.dma_semaphore, #tpu.memory_space<semaphore_mem>>)
    %dma_start3A_56 = arith.constant 1 : i32
    %dma_start3A_57 = arith.constant 128 : i32
    %dma_start3A_58 = tpu.memref_slice %arg15[%dma_start3A_57] : memref<512xf32, #tpu.memory_space<vmem>> -> memref<128xf32, #tpu.memory_space<vmem>>
    %dma_start3A_59 = arith.constant 0 : i32
    %dma_start3A_60 = tpu.memref_slice %arg11[%dma_start3A_56, %dma_start3A_59] : memref<4x128xi32, #tpu.memory_space<vmem>> -> memref<1x128xi32, #tpu.memory_space<vmem>>
    %dma_start3A_61 = tpu.memref_squeeze %dma_start3A_60 : memref<1x128xi32, #tpu.memory_space<vmem>> -> memref<128xi32, #tpu.memory_space<vmem>>
    %dma_start3A_62 = arith.constant 0 : i32
    %dma_start3A_63 = tpu.memref_slice %arg8[%dma_start3A_62] : memref<1000000xf32, #tpu.memory_space<hbm>> -> memref<1000000xf32, #tpu.memory_space<hbm>>
    tpu.enqueue_indirect_dma source(%dma_start3A_63 : memref<1000000xf32, #tpu.memory_space<hbm>>) target(%dma_start3A_58 : memref<128xf32, #tpu.memory_space<vmem>>) offsets(%dma_start3A_61 : memref<128xi32, #tpu.memory_space<vmem>>) semaphore(%arg20 : memref<!tpu.dma_semaphore, #tpu.memory_space<semaphore_mem>>)
    %dma_start3A_64 = arith.constant 1 : i32
    %dma_start3A_65 = arith.constant 128 : i32
    %dma_start3A_66 = tpu.memref_slice %arg16[%dma_start3A_65] : memref<512xf32, #tpu.memory_space<vmem>> -> memref<128xf32, #tpu.memory_space<vmem>>
    %dma_start3A_67 = arith.constant 0 : i32
    %dma_start3A_68 = tpu.memref_slice %arg12[%dma_start3A_64, %dma_start3A_67] : memref<4x128xi32, #tpu.memory_space<vmem>> -> memref<1x128xi32, #tpu.memory_space<vmem>>
    %dma_start3A_69 = tpu.memref_squeeze %dma_start3A_68 : memref<1x128xi32, #tpu.memory_space<vmem>> -> memref<128xi32, #tpu.memory_space<vmem>>
    %dma_start3A_70 = arith.constant 0 : i32
    %dma_start3A_71 = tpu.memref_slice %arg9[%dma_start3A_70] : memref<1000000xf32, #tpu.memory_space<hbm>> -> memref<1000000xf32, #tpu.memory_space<hbm>>
    tpu.enqueue_indirect_dma source(%dma_start3A_71 : memref<1000000xf32, #tpu.memory_space<hbm>>) target(%dma_start3A_66 : memref<128xf32, #tpu.memory_space<vmem>>) offsets(%dma_start3A_69 : memref<128xi32, #tpu.memory_space<vmem>>) semaphore(%arg20 : memref<!tpu.dma_semaphore, #tpu.memory_space<semaphore_mem>>)
    %dma_start3A_72 = arith.constant 2 : i32
    %dma_start3A_73 = arith.constant 256 : i32
    %dma_start3A_74 = arith.constant 0 : i32
    %dma_start3A_75 = tpu.memref_slice %arg13[%dma_start3A_73, %dma_start3A_74] : memref<512x32xf32, #tpu.memory_space<vmem>> -> memref<128x32xf32, #tpu.memory_space<vmem>>
    %dma_start3A_76 = arith.constant 0 : i32
    %dma_start3A_77 = tpu.memref_slice %arg11[%dma_start3A_72, %dma_start3A_76] : memref<4x128xi32, #tpu.memory_space<vmem>> -> memref<1x128xi32, #tpu.memory_space<vmem>>
    %dma_start3A_78 = tpu.memref_squeeze %dma_start3A_77 : memref<1x128xi32, #tpu.memory_space<vmem>> -> memref<128xi32, #tpu.memory_space<vmem>>
    %dma_start3A_79 = arith.constant 0 : i32
    %dma_start3A_80 = arith.constant 0 : i32
    %dma_start3A_81 = tpu.memref_slice %arg6[%dma_start3A_79, %dma_start3A_80] : memref<1000000x32xf32, #tpu.memory_space<hbm>> -> memref<1000000x32xf32, #tpu.memory_space<hbm>>
    tpu.enqueue_indirect_dma source(%dma_start3A_81 : memref<1000000x32xf32, #tpu.memory_space<hbm>>) target(%dma_start3A_75 : memref<128x32xf32, #tpu.memory_space<vmem>>) offsets(%dma_start3A_78 : memref<128xi32, #tpu.memory_space<vmem>>) semaphore(%arg20 : memref<!tpu.dma_semaphore, #tpu.memory_space<semaphore_mem>>)
    %dma_start3A_82 = arith.constant 2 : i32
    %dma_start3A_83 = arith.constant 256 : i32
    %dma_start3A_84 = arith.constant 0 : i32
    %dma_start3A_85 = tpu.memref_slice %arg14[%dma_start3A_83, %dma_start3A_84] : memref<512x32xf32, #tpu.memory_space<vmem>> -> memref<128x32xf32, #tpu.memory_space<vmem>>
    %dma_start3A_86 = arith.constant 0 : i32
    %dma_start3A_87 = tpu.memref_slice %arg12[%dma_start3A_82, %dma_start3A_86] : memref<4x128xi32, #tpu.memory_space<vmem>> -> memref<1x128xi32, #tpu.memory_space<vmem>>
    %dma_start3A_88 = tpu.memref_squeeze %dma_start3A_87 : memref<1x128xi32, #tpu.memory_space<vmem>> -> memref<128xi32, #tpu.memory_space<vmem>>
    %dma_start3A_89 = arith.constant 0 : i32
    %dma_start3A_90 = arith.constant 0 : i32
    %dma_start3A_91 = tpu.memref_slice %arg7[%dma_start3A_89, %dma_start3A_90] : memref<1000000x32xf32, #tpu.memory_space<hbm>> -> memref<1000000x32xf32, #tpu.memory_space<hbm>>
    tpu.enqueue_indirect_dma source(%dma_start3A_91 : memref<1000000x32xf32, #tpu.memory_space<hbm>>) target(%dma_start3A_85 : memref<128x32xf32, #tpu.memory_space<vmem>>) offsets(%dma_start3A_88 : memref<128xi32, #tpu.memory_space<vmem>>) semaphore(%arg20 : memref<!tpu.dma_semaphore, #tpu.memory_space<semaphore_mem>>)
    %dma_start3A_92 = arith.constant 2 : i32
    %dma_start3A_93 = arith.constant 256 : i32
    %dma_start3A_94 = tpu.memref_slice %arg15[%dma_start3A_93] : memref<512xf32, #tpu.memory_space<vmem>> -> memref<128xf32, #tpu.memory_space<vmem>>
    %dma_start3A_95 = arith.constant 0 : i32
    %dma_start3A_96 = tpu.memref_slice %arg11[%dma_start3A_92, %dma_start3A_95] : memref<4x128xi32, #tpu.memory_space<vmem>> -> memref<1x128xi32, #tpu.memory_space<vmem>>
    %dma_start3A_97 = tpu.memref_squeeze %dma_start3A_96 : memref<1x128xi32, #tpu.memory_space<vmem>> -> memref<128xi32, #tpu.memory_space<vmem>>
    %dma_start3A_98 = arith.constant 0 : i32
    %dma_start3A_99 = tpu.memref_slice %arg8[%dma_start3A_98] : memref<1000000xf32, #tpu.memory_space<hbm>> -> memref<1000000xf32, #tpu.memory_space<hbm>>
    tpu.enqueue_indirect_dma source(%dma_start3A_99 : memref<1000000xf32, #tpu.memory_space<hbm>>) target(%dma_start3A_94 : memref<128xf32, #tpu.memory_space<vmem>>) offsets(%dma_start3A_97 : memref<128xi32, #tpu.memory_space<vmem>>) semaphore(%arg20 : memref<!tpu.dma_semaphore, #tpu.memory_space<semaphore_mem>>)
    %dma_start3A_100 = arith.constant 2 : i32
    %dma_start3A_101 = arith.constant 256 : i32
    %dma_start3A_102 = tpu.memref_slice %arg16[%dma_start3A_101] : memref<512xf32, #tpu.memory_space<vmem>> -> memref<128xf32, #tpu.memory_space<vmem>>
    %dma_start3A_103 = arith.constant 0 : i32
    %dma_start3A_104 = tpu.memref_slice %arg12[%dma_start3A_100, %dma_start3A_103] : memref<4x128xi32, #tpu.memory_space<vmem>> -> memref<1x128xi32, #tpu.memory_space<vmem>>
    %dma_start3A_105 = tpu.memref_squeeze %dma_start3A_104 : memref<1x128xi32, #tpu.memory_space<vmem>> -> memref<128xi32, #tpu.memory_space<vmem>>
    %dma_start3A_106 = arith.constant 0 : i32
    %dma_start3A_107 = tpu.memref_slice %arg9[%dma_start3A_106] : memref<1000000xf32, #tpu.memory_space<hbm>> -> memref<1000000xf32, #tpu.memory_space<hbm>>
    tpu.enqueue_indirect_dma source(%dma_start3A_107 : memref<1000000xf32, #tpu.memory_space<hbm>>) target(%dma_start3A_102 : memref<128xf32, #tpu.memory_space<vmem>>) offsets(%dma_start3A_105 : memref<128xi32, #tpu.memory_space<vmem>>) semaphore(%arg20 : memref<!tpu.dma_semaphore, #tpu.memory_space<semaphore_mem>>)
    %dma_start3A_108 = arith.constant 3 : i32
    %dma_start3A_109 = arith.constant 384 : i32
    %dma_start3A_110 = arith.constant 0 : i32
    %dma_start3A_111 = tpu.memref_slice %arg13[%dma_start3A_109, %dma_start3A_110] : memref<512x32xf32, #tpu.memory_space<vmem>> -> memref<128x32xf32, #tpu.memory_space<vmem>>
    %dma_start3A_112 = arith.constant 0 : i32
    %dma_start3A_113 = tpu.memref_slice %arg11[%dma_start3A_108, %dma_start3A_112] : memref<4x128xi32, #tpu.memory_space<vmem>> -> memref<1x128xi32, #tpu.memory_space<vmem>>
    %dma_start3A_114 = tpu.memref_squeeze %dma_start3A_113 : memref<1x128xi32, #tpu.memory_space<vmem>> -> memref<128xi32, #tpu.memory_space<vmem>>
    %dma_start3A_115 = arith.constant 0 : i32
    %dma_start3A_116 = arith.constant 0 : i32
    %dma_start3A_117 = tpu.memref_slice %arg6[%dma_start3A_115, %dma_start3A_116] : memref<1000000x32xf32, #tpu.memory_space<hbm>> -> memref<1000000x32xf32, #tpu.memory_space<hbm>>
    tpu.enqueue_indirect_dma source(%dma_start3A_117 : memref<1000000x32xf32, #tpu.memory_space<hbm>>) target(%dma_start3A_111 : memref<128x32xf32, #tpu.memory_space<vmem>>) offsets(%dma_start3A_114 : memref<128xi32, #tpu.memory_space<vmem>>) semaphore(%arg20 : memref<!tpu.dma_semaphore, #tpu.memory_space<semaphore_mem>>)
    %dma_start3A_118 = arith.constant 3 : i32
    %dma_start3A_119 = arith.constant 384 : i32
    %dma_start3A_120 = arith.constant 0 : i32
    %dma_start3A_121 = tpu.memref_slice %arg14[%dma_start3A_119, %dma_start3A_120] : memref<512x32xf32, #tpu.memory_space<vmem>> -> memref<128x32xf32, #tpu.memory_space<vmem>>
    %dma_start3A_122 = arith.constant 0 : i32
    %dma_start3A_123 = tpu.memref_slice %arg12[%dma_start3A_118, %dma_start3A_122] : memref<4x128xi32, #tpu.memory_space<vmem>> -> memref<1x128xi32, #tpu.memory_space<vmem>>
    %dma_start3A_124 = tpu.memref_squeeze %dma_start3A_123 : memref<1x128xi32, #tpu.memory_space<vmem>> -> memref<128xi32, #tpu.memory_space<vmem>>
    %dma_start3A_125 = arith.constant 0 : i32
    %dma_start3A_126 = arith.constant 0 : i32
    %dma_start3A_127 = tpu.memref_slice %arg7[%dma_start3A_125, %dma_start3A_126] : memref<1000000x32xf32, #tpu.memory_space<hbm>> -> memref<1000000x32xf32, #tpu.memory_space<hbm>>
    tpu.enqueue_indirect_dma source(%dma_start3A_127 : memref<1000000x32xf32, #tpu.memory_space<hbm>>) target(%dma_start3A_121 : memref<128x32xf32, #tpu.memory_space<vmem>>) offsets(%dma_start3A_124 : memref<128xi32, #tpu.memory_space<vmem>>) semaphore(%arg20 : memref<!tpu.dma_semaphore, #tpu.memory_space<semaphore_mem>>)
    %dma_start3A_128 = arith.constant 3 : i32
    %dma_start3A_129 = arith.constant 384 : i32
    %dma_start3A_130 = tpu.memref_slice %arg15[%dma_start3A_129] : memref<512xf32, #tpu.memory_space<vmem>> -> memref<128xf32, #tpu.memory_space<vmem>>
    %dma_start3A_131 = arith.constant 0 : i32
    %dma_start3A_132 = tpu.memref_slice %arg11[%dma_start3A_128, %dma_start3A_131] : memref<4x128xi32, #tpu.memory_space<vmem>> -> memref<1x128xi32, #tpu.memory_space<vmem>>
    %dma_start3A_133 = tpu.memref_squeeze %dma_start3A_132 : memref<1x128xi32, #tpu.memory_space<vmem>> -> memref<128xi32, #tpu.memory_space<vmem>>
    %dma_start3A_134 = arith.constant 0 : i32
    %dma_start3A_135 = tpu.memref_slice %arg8[%dma_start3A_134] : memref<1000000xf32, #tpu.memory_space<hbm>> -> memref<1000000xf32, #tpu.memory_space<hbm>>
    tpu.enqueue_indirect_dma source(%dma_start3A_135 : memref<1000000xf32, #tpu.memory_space<hbm>>) target(%dma_start3A_130 : memref<128xf32, #tpu.memory_space<vmem>>) offsets(%dma_start3A_133 : memref<128xi32, #tpu.memory_space<vmem>>) semaphore(%arg20 : memref<!tpu.dma_semaphore, #tpu.memory_space<semaphore_mem>>)
    %dma_start3A_136 = arith.constant 3 : i32
    %dma_start3A_137 = arith.constant 384 : i32
    %dma_start3A_138 = tpu.memref_slice %arg16[%dma_start3A_137] : memref<512xf32, #tpu.memory_space<vmem>> -> memref<128xf32, #tpu.memory_space<vmem>>
    %dma_start3A_139 = arith.constant 0 : i32
    %dma_start3A_140 = tpu.memref_slice %arg12[%dma_start3A_136, %dma_start3A_139] : memref<4x128xi32, #tpu.memory_space<vmem>> -> memref<1x128xi32, #tpu.memory_space<vmem>>
    %dma_start3A_141 = tpu.memref_squeeze %dma_start3A_140 : memref<1x128xi32, #tpu.memory_space<vmem>> -> memref<128xi32, #tpu.memory_space<vmem>>
    %dma_start3A_142 = arith.constant 0 : i32
    %dma_start3A_143 = tpu.memref_slice %arg9[%dma_start3A_142] : memref<1000000xf32, #tpu.memory_space<hbm>> -> memref<1000000xf32, #tpu.memory_space<hbm>>
    tpu.enqueue_indirect_dma source(%dma_start3A_143 : memref<1000000xf32, #tpu.memory_space<hbm>>) target(%dma_start3A_138 : memref<128xf32, #tpu.memory_space<vmem>>) offsets(%dma_start3A_141 : memref<128xi32, #tpu.memory_space<vmem>>) semaphore(%arg20 : memref<!tpu.dma_semaphore, #tpu.memory_space<semaphore_mem>>)
    %dma_start3A_144 = arith.constant 0 : i32
    %dma_start3A_145 = tpu.memref_slice %arg4[%add3A, %dma_start3A_144] : memref<32x512xf32, #tpu.memory_space<hbm>> -> memref<1x512xf32, #tpu.memory_space<hbm>>
    %dma_start3A_146 = tpu.memref_squeeze %dma_start3A_145 : memref<1x512xf32, #tpu.memory_space<hbm>> -> memref<512xf32, #tpu.memory_space<hbm>>
    %dma_start3A_147 = arith.constant 0 : i32
    %dma_start3A_148 = tpu.memref_slice %arg4[%add3A, %dma_start3A_147] : memref<32x512xf32, #tpu.memory_space<hbm>> -> memref<1x512xf32, #tpu.memory_space<hbm>>
    %dma_start3A_149 = tpu.memref_squeeze %dma_start3A_148 : memref<1x512xf32, #tpu.memory_space<hbm>> -> memref<512xf32, #tpu.memory_space<hbm>>
    tpu.enqueue_dma source(%dma_start3A_149 : memref<512xf32, #tpu.memory_space<hbm>>) target(%arg17 : memref<512xf32, #tpu.memory_space<vmem>>) target_semaphore(%arg20 : memref<!tpu.dma_semaphore, #tpu.memory_space<semaphore_mem>>)
    %dma_start3A_150 = arith.constant 0 : i32
    %dma_start3A_151 = tpu.memref_slice %arg5[%add3A, %dma_start3A_150] : memref<32x512xf32, #tpu.memory_space<hbm>> -> memref<1x512xf32, #tpu.memory_space<hbm>>
    %dma_start3A_152 = tpu.memref_squeeze %dma_start3A_151 : memref<1x512xf32, #tpu.memory_space<hbm>> -> memref<512xf32, #tpu.memory_space<hbm>>
    %dma_start3A_153 = arith.constant 0 : i32
    %dma_start3A_154 = tpu.memref_slice %arg5[%add3A, %dma_start3A_153] : memref<32x512xf32, #tpu.memory_space<hbm>> -> memref<1x512xf32, #tpu.memory_space<hbm>>
    %dma_start3A_155 = tpu.memref_squeeze %dma_start3A_154 : memref<1x512xf32, #tpu.memory_space<hbm>> -> memref<512xf32, #tpu.memory_space<hbm>>
    tpu.enqueue_dma source(%dma_start3A_155 : memref<512xf32, #tpu.memory_space<hbm>>) target(%arg18 : memref<512xf32, #tpu.memory_space<vmem>>) target_semaphore(%arg20 : memref<!tpu.dma_semaphore, #tpu.memory_space<semaphore_mem>>)
    %dma_wait3A = arith.constant 0 : i32
    %dma_wait3A_156 = arith.constant 0 : i32
    %dma_wait3A_157 = arith.constant 0 : i32
    %dma_wait3A_158 = tpu.memref_slice %arg13[%dma_wait3A_156, %dma_wait3A_157] : memref<512x32xf32, #tpu.memory_space<vmem>> -> memref<128x32xf32, #tpu.memory_space<vmem>>
    %dma_wait3A_159 = arith.constant 0 : i32
    %dma_wait3A_160 = tpu.memref_slice %arg11[%dma_wait3A, %dma_wait3A_159] : memref<4x128xi32, #tpu.memory_space<vmem>> -> memref<1x128xi32, #tpu.memory_space<vmem>>
    %dma_wait3A_161 = tpu.memref_squeeze %dma_wait3A_160 : memref<1x128xi32, #tpu.memory_space<vmem>> -> memref<128xi32, #tpu.memory_space<vmem>>
    %dma_wait3A_162 = arith.constant 0 : i32
    %dma_wait3A_163 = arith.constant 0 : i32
    %dma_wait3A_164 = tpu.memref_slice %arg6[%dma_wait3A_162, %dma_wait3A_163] : memref<1000000x32xf32, #tpu.memory_space<hbm>> -> memref<1000000x32xf32, #tpu.memory_space<hbm>>
    tpu.wait_indirect_dma semaphore(%arg20 : memref<!tpu.dma_semaphore, #tpu.memory_space<semaphore_mem>>) src(%dma_wait3A_164 : memref<1000000x32xf32, #tpu.memory_space<hbm>>) dst(%dma_wait3A_158 : memref<128x32xf32, #tpu.memory_space<vmem>>)
    %dma_wait3A_165 = arith.constant 0 : i32
    %dma_wait3A_166 = arith.constant 0 : i32
    %dma_wait3A_167 = arith.constant 0 : i32
    %dma_wait3A_168 = tpu.memref_slice %arg14[%dma_wait3A_166, %dma_wait3A_167] : memref<512x32xf32, #tpu.memory_space<vmem>> -> memref<128x32xf32, #tpu.memory_space<vmem>>
    %dma_wait3A_169 = arith.constant 0 : i32
    %dma_wait3A_170 = tpu.memref_slice %arg12[%dma_wait3A_165, %dma_wait3A_169] : memref<4x128xi32, #tpu.memory_space<vmem>> -> memref<1x128xi32, #tpu.memory_space<vmem>>
    %dma_wait3A_171 = tpu.memref_squeeze %dma_wait3A_170 : memref<1x128xi32, #tpu.memory_space<vmem>> -> memref<128xi32, #tpu.memory_space<vmem>>
    %dma_wait3A_172 = arith.constant 0 : i32
    %dma_wait3A_173 = arith.constant 0 : i32
    %dma_wait3A_174 = tpu.memref_slice %arg7[%dma_wait3A_172, %dma_wait3A_173] : memref<1000000x32xf32, #tpu.memory_space<hbm>> -> memref<1000000x32xf32, #tpu.memory_space<hbm>>
    tpu.wait_indirect_dma semaphore(%arg20 : memref<!tpu.dma_semaphore, #tpu.memory_space<semaphore_mem>>) src(%dma_wait3A_174 : memref<1000000x32xf32, #tpu.memory_space<hbm>>) dst(%dma_wait3A_168 : memref<128x32xf32, #tpu.memory_space<vmem>>)
    %dma_wait3A_175 = arith.constant 0 : i32
    %dma_wait3A_176 = arith.constant 0 : i32
    %dma_wait3A_177 = tpu.memref_slice %arg15[%dma_wait3A_176] : memref<512xf32, #tpu.memory_space<vmem>> -> memref<128xf32, #tpu.memory_space<vmem>>
    %dma_wait3A_178 = arith.constant 0 : i32
    %dma_wait3A_179 = tpu.memref_slice %arg11[%dma_wait3A_175, %dma_wait3A_178] : memref<4x128xi32, #tpu.memory_space<vmem>> -> memref<1x128xi32, #tpu.memory_space<vmem>>
    %dma_wait3A_180 = tpu.memref_squeeze %dma_wait3A_179 : memref<1x128xi32, #tpu.memory_space<vmem>> -> memref<128xi32, #tpu.memory_space<vmem>>
    %dma_wait3A_181 = arith.constant 0 : i32
    %dma_wait3A_182 = tpu.memref_slice %arg8[%dma_wait3A_181] : memref<1000000xf32, #tpu.memory_space<hbm>> -> memref<1000000xf32, #tpu.memory_space<hbm>>
    tpu.wait_indirect_dma semaphore(%arg20 : memref<!tpu.dma_semaphore, #tpu.memory_space<semaphore_mem>>) src(%dma_wait3A_182 : memref<1000000xf32, #tpu.memory_space<hbm>>) dst(%dma_wait3A_177 : memref<128xf32, #tpu.memory_space<vmem>>)
    %dma_wait3A_183 = arith.constant 0 : i32
    %dma_wait3A_184 = arith.constant 0 : i32
    %dma_wait3A_185 = tpu.memref_slice %arg16[%dma_wait3A_184] : memref<512xf32, #tpu.memory_space<vmem>> -> memref<128xf32, #tpu.memory_space<vmem>>
    %dma_wait3A_186 = arith.constant 0 : i32
    %dma_wait3A_187 = tpu.memref_slice %arg12[%dma_wait3A_183, %dma_wait3A_186] : memref<4x128xi32, #tpu.memory_space<vmem>> -> memref<1x128xi32, #tpu.memory_space<vmem>>
    %dma_wait3A_188 = tpu.memref_squeeze %dma_wait3A_187 : memref<1x128xi32, #tpu.memory_space<vmem>> -> memref<128xi32, #tpu.memory_space<vmem>>
    %dma_wait3A_189 = arith.constant 0 : i32
    %dma_wait3A_190 = tpu.memref_slice %arg9[%dma_wait3A_189] : memref<1000000xf32, #tpu.memory_space<hbm>> -> memref<1000000xf32, #tpu.memory_space<hbm>>
    tpu.wait_indirect_dma semaphore(%arg20 : memref<!tpu.dma_semaphore, #tpu.memory_space<semaphore_mem>>) src(%dma_wait3A_190 : memref<1000000xf32, #tpu.memory_space<hbm>>) dst(%dma_wait3A_185 : memref<128xf32, #tpu.memory_space<vmem>>)
    %dma_wait3A_191 = arith.constant 1 : i32
    %dma_wait3A_192 = arith.constant 128 : i32
    %dma_wait3A_193 = arith.constant 0 : i32
    %dma_wait3A_194 = tpu.memref_slice %arg13[%dma_wait3A_192, %dma_wait3A_193] : memref<512x32xf32, #tpu.memory_space<vmem>> -> memref<128x32xf32, #tpu.memory_space<vmem>>
    %dma_wait3A_195 = arith.constant 0 : i32
    %dma_wait3A_196 = tpu.memref_slice %arg11[%dma_wait3A_191, %dma_wait3A_195] : memref<4x128xi32, #tpu.memory_space<vmem>> -> memref<1x128xi32, #tpu.memory_space<vmem>>
    %dma_wait3A_197 = tpu.memref_squeeze %dma_wait3A_196 : memref<1x128xi32, #tpu.memory_space<vmem>> -> memref<128xi32, #tpu.memory_space<vmem>>
    %dma_wait3A_198 = arith.constant 0 : i32
    %dma_wait3A_199 = arith.constant 0 : i32
    %dma_wait3A_200 = tpu.memref_slice %arg6[%dma_wait3A_198, %dma_wait3A_199] : memref<1000000x32xf32, #tpu.memory_space<hbm>> -> memref<1000000x32xf32, #tpu.memory_space<hbm>>
    tpu.wait_indirect_dma semaphore(%arg20 : memref<!tpu.dma_semaphore, #tpu.memory_space<semaphore_mem>>) src(%dma_wait3A_200 : memref<1000000x32xf32, #tpu.memory_space<hbm>>) dst(%dma_wait3A_194 : memref<128x32xf32, #tpu.memory_space<vmem>>)
    %dma_wait3A_201 = arith.constant 1 : i32
    %dma_wait3A_202 = arith.constant 128 : i32
    %dma_wait3A_203 = arith.constant 0 : i32
    %dma_wait3A_204 = tpu.memref_slice %arg14[%dma_wait3A_202, %dma_wait3A_203] : memref<512x32xf32, #tpu.memory_space<vmem>> -> memref<128x32xf32, #tpu.memory_space<vmem>>
    %dma_wait3A_205 = arith.constant 0 : i32
    %dma_wait3A_206 = tpu.memref_slice %arg12[%dma_wait3A_201, %dma_wait3A_205] : memref<4x128xi32, #tpu.memory_space<vmem>> -> memref<1x128xi32, #tpu.memory_space<vmem>>
    %dma_wait3A_207 = tpu.memref_squeeze %dma_wait3A_206 : memref<1x128xi32, #tpu.memory_space<vmem>> -> memref<128xi32, #tpu.memory_space<vmem>>
    %dma_wait3A_208 = arith.constant 0 : i32
    %dma_wait3A_209 = arith.constant 0 : i32
    %dma_wait3A_210 = tpu.memref_slice %arg7[%dma_wait3A_208, %dma_wait3A_209] : memref<1000000x32xf32, #tpu.memory_space<hbm>> -> memref<1000000x32xf32, #tpu.memory_space<hbm>>
    tpu.wait_indirect_dma semaphore(%arg20 : memref<!tpu.dma_semaphore, #tpu.memory_space<semaphore_mem>>) src(%dma_wait3A_210 : memref<1000000x32xf32, #tpu.memory_space<hbm>>) dst(%dma_wait3A_204 : memref<128x32xf32, #tpu.memory_space<vmem>>)
    %dma_wait3A_211 = arith.constant 1 : i32
    %dma_wait3A_212 = arith.constant 128 : i32
    %dma_wait3A_213 = tpu.memref_slice %arg15[%dma_wait3A_212] : memref<512xf32, #tpu.memory_space<vmem>> -> memref<128xf32, #tpu.memory_space<vmem>>
    %dma_wait3A_214 = arith.constant 0 : i32
    %dma_wait3A_215 = tpu.memref_slice %arg11[%dma_wait3A_211, %dma_wait3A_214] : memref<4x128xi32, #tpu.memory_space<vmem>> -> memref<1x128xi32, #tpu.memory_space<vmem>>
    %dma_wait3A_216 = tpu.memref_squeeze %dma_wait3A_215 : memref<1x128xi32, #tpu.memory_space<vmem>> -> memref<128xi32, #tpu.memory_space<vmem>>
    %dma_wait3A_217 = arith.constant 0 : i32
    %dma_wait3A_218 = tpu.memref_slice %arg8[%dma_wait3A_217] : memref<1000000xf32, #tpu.memory_space<hbm>> -> memref<1000000xf32, #tpu.memory_space<hbm>>
    tpu.wait_indirect_dma semaphore(%arg20 : memref<!tpu.dma_semaphore, #tpu.memory_space<semaphore_mem>>) src(%dma_wait3A_218 : memref<1000000xf32, #tpu.memory_space<hbm>>) dst(%dma_wait3A_213 : memref<128xf32, #tpu.memory_space<vmem>>)
    %dma_wait3A_219 = arith.constant 1 : i32
    %dma_wait3A_220 = arith.constant 128 : i32
    %dma_wait3A_221 = tpu.memref_slice %arg16[%dma_wait3A_220] : memref<512xf32, #tpu.memory_space<vmem>> -> memref<128xf32, #tpu.memory_space<vmem>>
    %dma_wait3A_222 = arith.constant 0 : i32
    %dma_wait3A_223 = tpu.memref_slice %arg12[%dma_wait3A_219, %dma_wait3A_222] : memref<4x128xi32, #tpu.memory_space<vmem>> -> memref<1x128xi32, #tpu.memory_space<vmem>>
    %dma_wait3A_224 = tpu.memref_squeeze %dma_wait3A_223 : memref<1x128xi32, #tpu.memory_space<vmem>> -> memref<128xi32, #tpu.memory_space<vmem>>
    %dma_wait3A_225 = arith.constant 0 : i32
    %dma_wait3A_226 = tpu.memref_slice %arg9[%dma_wait3A_225] : memref<1000000xf32, #tpu.memory_space<hbm>> -> memref<1000000xf32, #tpu.memory_space<hbm>>
    tpu.wait_indirect_dma semaphore(%arg20 : memref<!tpu.dma_semaphore, #tpu.memory_space<semaphore_mem>>) src(%dma_wait3A_226 : memref<1000000xf32, #tpu.memory_space<hbm>>) dst(%dma_wait3A_221 : memref<128xf32, #tpu.memory_space<vmem>>)
    %dma_wait3A_227 = arith.constant 2 : i32
    %dma_wait3A_228 = arith.constant 256 : i32
    %dma_wait3A_229 = arith.constant 0 : i32
    %dma_wait3A_230 = tpu.memref_slice %arg13[%dma_wait3A_228, %dma_wait3A_229] : memref<512x32xf32, #tpu.memory_space<vmem>> -> memref<128x32xf32, #tpu.memory_space<vmem>>
    %dma_wait3A_231 = arith.constant 0 : i32
    %dma_wait3A_232 = tpu.memref_slice %arg11[%dma_wait3A_227, %dma_wait3A_231] : memref<4x128xi32, #tpu.memory_space<vmem>> -> memref<1x128xi32, #tpu.memory_space<vmem>>
    %dma_wait3A_233 = tpu.memref_squeeze %dma_wait3A_232 : memref<1x128xi32, #tpu.memory_space<vmem>> -> memref<128xi32, #tpu.memory_space<vmem>>
    %dma_wait3A_234 = arith.constant 0 : i32
    %dma_wait3A_235 = arith.constant 0 : i32
    %dma_wait3A_236 = tpu.memref_slice %arg6[%dma_wait3A_234, %dma_wait3A_235] : memref<1000000x32xf32, #tpu.memory_space<hbm>> -> memref<1000000x32xf32, #tpu.memory_space<hbm>>
    tpu.wait_indirect_dma semaphore(%arg20 : memref<!tpu.dma_semaphore, #tpu.memory_space<semaphore_mem>>) src(%dma_wait3A_236 : memref<1000000x32xf32, #tpu.memory_space<hbm>>) dst(%dma_wait3A_230 : memref<128x32xf32, #tpu.memory_space<vmem>>)
    %dma_wait3A_237 = arith.constant 2 : i32
    %dma_wait3A_238 = arith.constant 256 : i32
    %dma_wait3A_239 = arith.constant 0 : i32
    %dma_wait3A_240 = tpu.memref_slice %arg14[%dma_wait3A_238, %dma_wait3A_239] : memref<512x32xf32, #tpu.memory_space<vmem>> -> memref<128x32xf32, #tpu.memory_space<vmem>>
    %dma_wait3A_241 = arith.constant 0 : i32
    %dma_wait3A_242 = tpu.memref_slice %arg12[%dma_wait3A_237, %dma_wait3A_241] : memref<4x128xi32, #tpu.memory_space<vmem>> -> memref<1x128xi32, #tpu.memory_space<vmem>>
    %dma_wait3A_243 = tpu.memref_squeeze %dma_wait3A_242 : memref<1x128xi32, #tpu.memory_space<vmem>> -> memref<128xi32, #tpu.memory_space<vmem>>
    %dma_wait3A_244 = arith.constant 0 : i32
    %dma_wait3A_245 = arith.constant 0 : i32
    %dma_wait3A_246 = tpu.memref_slice %arg7[%dma_wait3A_244, %dma_wait3A_245] : memref<1000000x32xf32, #tpu.memory_space<hbm>> -> memref<1000000x32xf32, #tpu.memory_space<hbm>>
    tpu.wait_indirect_dma semaphore(%arg20 : memref<!tpu.dma_semaphore, #tpu.memory_space<semaphore_mem>>) src(%dma_wait3A_246 : memref<1000000x32xf32, #tpu.memory_space<hbm>>) dst(%dma_wait3A_240 : memref<128x32xf32, #tpu.memory_space<vmem>>)
    %dma_wait3A_247 = arith.constant 2 : i32
    %dma_wait3A_248 = arith.constant 256 : i32
    %dma_wait3A_249 = tpu.memref_slice %arg15[%dma_wait3A_248] : memref<512xf32, #tpu.memory_space<vmem>> -> memref<128xf32, #tpu.memory_space<vmem>>
    %dma_wait3A_250 = arith.constant 0 : i32
    %dma_wait3A_251 = tpu.memref_slice %arg11[%dma_wait3A_247, %dma_wait3A_250] : memref<4x128xi32, #tpu.memory_space<vmem>> -> memref<1x128xi32, #tpu.memory_space<vmem>>
    %dma_wait3A_252 = tpu.memref_squeeze %dma_wait3A_251 : memref<1x128xi32, #tpu.memory_space<vmem>> -> memref<128xi32, #tpu.memory_space<vmem>>
    %dma_wait3A_253 = arith.constant 0 : i32
    %dma_wait3A_254 = tpu.memref_slice %arg8[%dma_wait3A_253] : memref<1000000xf32, #tpu.memory_space<hbm>> -> memref<1000000xf32, #tpu.memory_space<hbm>>
    tpu.wait_indirect_dma semaphore(%arg20 : memref<!tpu.dma_semaphore, #tpu.memory_space<semaphore_mem>>) src(%dma_wait3A_254 : memref<1000000xf32, #tpu.memory_space<hbm>>) dst(%dma_wait3A_249 : memref<128xf32, #tpu.memory_space<vmem>>)
    %dma_wait3A_255 = arith.constant 2 : i32
    %dma_wait3A_256 = arith.constant 256 : i32
    %dma_wait3A_257 = tpu.memref_slice %arg16[%dma_wait3A_256] : memref<512xf32, #tpu.memory_space<vmem>> -> memref<128xf32, #tpu.memory_space<vmem>>
    %dma_wait3A_258 = arith.constant 0 : i32
    %dma_wait3A_259 = tpu.memref_slice %arg12[%dma_wait3A_255, %dma_wait3A_258] : memref<4x128xi32, #tpu.memory_space<vmem>> -> memref<1x128xi32, #tpu.memory_space<vmem>>
    %dma_wait3A_260 = tpu.memref_squeeze %dma_wait3A_259 : memref<1x128xi32, #tpu.memory_space<vmem>> -> memref<128xi32, #tpu.memory_space<vmem>>
    %dma_wait3A_261 = arith.constant 0 : i32
    %dma_wait3A_262 = tpu.memref_slice %arg9[%dma_wait3A_261] : memref<1000000xf32, #tpu.memory_space<hbm>> -> memref<1000000xf32, #tpu.memory_space<hbm>>
    tpu.wait_indirect_dma semaphore(%arg20 : memref<!tpu.dma_semaphore, #tpu.memory_space<semaphore_mem>>) src(%dma_wait3A_262 : memref<1000000xf32, #tpu.memory_space<hbm>>) dst(%dma_wait3A_257 : memref<128xf32, #tpu.memory_space<vmem>>)
    %dma_wait3A_263 = arith.constant 3 : i32
    %dma_wait3A_264 = arith.constant 384 : i32
    %dma_wait3A_265 = arith.constant 0 : i32
    %dma_wait3A_266 = tpu.memref_slice %arg13[%dma_wait3A_264, %dma_wait3A_265] : memref<512x32xf32, #tpu.memory_space<vmem>> -> memref<128x32xf32, #tpu.memory_space<vmem>>
    %dma_wait3A_267 = arith.constant 0 : i32
    %dma_wait3A_268 = tpu.memref_slice %arg11[%dma_wait3A_263, %dma_wait3A_267] : memref<4x128xi32, #tpu.memory_space<vmem>> -> memref<1x128xi32, #tpu.memory_space<vmem>>
    %dma_wait3A_269 = tpu.memref_squeeze %dma_wait3A_268 : memref<1x128xi32, #tpu.memory_space<vmem>> -> memref<128xi32, #tpu.memory_space<vmem>>
    %dma_wait3A_270 = arith.constant 0 : i32
    %dma_wait3A_271 = arith.constant 0 : i32
    %dma_wait3A_272 = tpu.memref_slice %arg6[%dma_wait3A_270, %dma_wait3A_271] : memref<1000000x32xf32, #tpu.memory_space<hbm>> -> memref<1000000x32xf32, #tpu.memory_space<hbm>>
    tpu.wait_indirect_dma semaphore(%arg20 : memref<!tpu.dma_semaphore, #tpu.memory_space<semaphore_mem>>) src(%dma_wait3A_272 : memref<1000000x32xf32, #tpu.memory_space<hbm>>) dst(%dma_wait3A_266 : memref<128x32xf32, #tpu.memory_space<vmem>>)
    %dma_wait3A_273 = arith.constant 3 : i32
    %dma_wait3A_274 = arith.constant 384 : i32
    %dma_wait3A_275 = arith.constant 0 : i32
    %dma_wait3A_276 = tpu.memref_slice %arg14[%dma_wait3A_274, %dma_wait3A_275] : memref<512x32xf32, #tpu.memory_space<vmem>> -> memref<128x32xf32, #tpu.memory_space<vmem>>
    %dma_wait3A_277 = arith.constant 0 : i32
    %dma_wait3A_278 = tpu.memref_slice %arg12[%dma_wait3A_273, %dma_wait3A_277] : memref<4x128xi32, #tpu.memory_space<vmem>> -> memref<1x128xi32, #tpu.memory_space<vmem>>
    %dma_wait3A_279 = tpu.memref_squeeze %dma_wait3A_278 : memref<1x128xi32, #tpu.memory_space<vmem>> -> memref<128xi32, #tpu.memory_space<vmem>>
    %dma_wait3A_280 = arith.constant 0 : i32
    %dma_wait3A_281 = arith.constant 0 : i32
    %dma_wait3A_282 = tpu.memref_slice %arg7[%dma_wait3A_280, %dma_wait3A_281] : memref<1000000x32xf32, #tpu.memory_space<hbm>> -> memref<1000000x32xf32, #tpu.memory_space<hbm>>
    tpu.wait_indirect_dma semaphore(%arg20 : memref<!tpu.dma_semaphore, #tpu.memory_space<semaphore_mem>>) src(%dma_wait3A_282 : memref<1000000x32xf32, #tpu.memory_space<hbm>>) dst(%dma_wait3A_276 : memref<128x32xf32, #tpu.memory_space<vmem>>)
    %dma_wait3A_283 = arith.constant 3 : i32
    %dma_wait3A_284 = arith.constant 384 : i32
    %dma_wait3A_285 = tpu.memref_slice %arg15[%dma_wait3A_284] : memref<512xf32, #tpu.memory_space<vmem>> -> memref<128xf32, #tpu.memory_space<vmem>>
    %dma_wait3A_286 = arith.constant 0 : i32
    %dma_wait3A_287 = tpu.memref_slice %arg11[%dma_wait3A_283, %dma_wait3A_286] : memref<4x128xi32, #tpu.memory_space<vmem>> -> memref<1x128xi32, #tpu.memory_space<vmem>>
    %dma_wait3A_288 = tpu.memref_squeeze %dma_wait3A_287 : memref<1x128xi32, #tpu.memory_space<vmem>> -> memref<128xi32, #tpu.memory_space<vmem>>
    %dma_wait3A_289 = arith.constant 0 : i32
    %dma_wait3A_290 = tpu.memref_slice %arg8[%dma_wait3A_289] : memref<1000000xf32, #tpu.memory_space<hbm>> -> memref<1000000xf32, #tpu.memory_space<hbm>>
    tpu.wait_indirect_dma semaphore(%arg20 : memref<!tpu.dma_semaphore, #tpu.memory_space<semaphore_mem>>) src(%dma_wait3A_290 : memref<1000000xf32, #tpu.memory_space<hbm>>) dst(%dma_wait3A_285 : memref<128xf32, #tpu.memory_space<vmem>>)
    %dma_wait3A_291 = arith.constant 3 : i32
    %dma_wait3A_292 = arith.constant 384 : i32
    %dma_wait3A_293 = tpu.memref_slice %arg16[%dma_wait3A_292] : memref<512xf32, #tpu.memory_space<vmem>> -> memref<128xf32, #tpu.memory_space<vmem>>
    %dma_wait3A_294 = arith.constant 0 : i32
    %dma_wait3A_295 = tpu.memref_slice %arg12[%dma_wait3A_291, %dma_wait3A_294] : memref<4x128xi32, #tpu.memory_space<vmem>> -> memref<1x128xi32, #tpu.memory_space<vmem>>
    %dma_wait3A_296 = tpu.memref_squeeze %dma_wait3A_295 : memref<1x128xi32, #tpu.memory_space<vmem>> -> memref<128xi32, #tpu.memory_space<vmem>>
    %dma_wait3A_297 = arith.constant 0 : i32
    %dma_wait3A_298 = tpu.memref_slice %arg9[%dma_wait3A_297] : memref<1000000xf32, #tpu.memory_space<hbm>> -> memref<1000000xf32, #tpu.memory_space<hbm>>
    tpu.wait_indirect_dma semaphore(%arg20 : memref<!tpu.dma_semaphore, #tpu.memory_space<semaphore_mem>>) src(%dma_wait3A_298 : memref<1000000xf32, #tpu.memory_space<hbm>>) dst(%dma_wait3A_293 : memref<128xf32, #tpu.memory_space<vmem>>)
    %dma_wait3A_299 = arith.constant 0 : i32
    %dma_wait3A_300 = tpu.memref_slice %arg4[%add3A, %dma_wait3A_299] : memref<32x512xf32, #tpu.memory_space<hbm>> -> memref<1x512xf32, #tpu.memory_space<hbm>>
    %dma_wait3A_301 = tpu.memref_squeeze %dma_wait3A_300 : memref<1x512xf32, #tpu.memory_space<hbm>> -> memref<512xf32, #tpu.memory_space<hbm>>
    %dma_wait3A_302 = arith.constant 0 : i32
    %dma_wait3A_303 = tpu.memref_slice %arg4[%add3A, %dma_wait3A_302] : memref<32x512xf32, #tpu.memory_space<hbm>> -> memref<1x512xf32, #tpu.memory_space<hbm>>
    %dma_wait3A_304 = tpu.memref_squeeze %dma_wait3A_303 : memref<1x512xf32, #tpu.memory_space<hbm>> -> memref<512xf32, #tpu.memory_space<hbm>>
    tpu.wait_dma2 semaphore(%arg20 : memref<!tpu.dma_semaphore, #tpu.memory_space<semaphore_mem>>) src(%dma_wait3A_304 : memref<512xf32, #tpu.memory_space<hbm>>) dst(%arg17 : memref<512xf32, #tpu.memory_space<vmem>>)
    %dma_wait3A_305 = arith.constant 0 : i32
    %dma_wait3A_306 = tpu.memref_slice %arg5[%add3A, %dma_wait3A_305] : memref<32x512xf32, #tpu.memory_space<hbm>> -> memref<1x512xf32, #tpu.memory_space<hbm>>
    %dma_wait3A_307 = tpu.memref_squeeze %dma_wait3A_306 : memref<1x512xf32, #tpu.memory_space<hbm>> -> memref<512xf32, #tpu.memory_space<hbm>>
    %dma_wait3A_308 = arith.constant 0 : i32
    %dma_wait3A_309 = tpu.memref_slice %arg5[%add3A, %dma_wait3A_308] : memref<32x512xf32, #tpu.memory_space<hbm>> -> memref<1x512xf32, #tpu.memory_space<hbm>>
    %dma_wait3A_310 = tpu.memref_squeeze %dma_wait3A_309 : memref<1x512xf32, #tpu.memory_space<hbm>> -> memref<512xf32, #tpu.memory_space<hbm>>
    tpu.wait_dma2 semaphore(%arg20 : memref<!tpu.dma_semaphore, #tpu.memory_space<semaphore_mem>>) src(%dma_wait3A_310 : memref<512xf32, #tpu.memory_space<hbm>>) dst(%arg18 : memref<512xf32, #tpu.memory_space<vmem>>)
    %broadcast_in_dim3A = arith.constant 0.000000e+00 : f32
    %broadcast_in_dim3A_311 = vector.broadcast %broadcast_in_dim3A : f32 to vector<16xf32>
    %scan3A = arith.constant 0 : i32
    %scan3A_312 = arith.constant 32 : i32
    %scan3A_313 = arith.addi %scan3A, %scan3A_312 : i32
    %scan3A_314 = arith.constant 1 : i32
    %scan3A_315 = scf.for %scan3A_318 = %scan3A to %scan3A_313 step %scan3A_314 iter_args(%scan3A_319 = %broadcast_in_dim3A_311) -> (vector<16xf32>)  : i32 {
      %mul3A_320 = arith.constant 16 : i32
      %mul3A_321 = arith.muli %scan3A_318, %mul3A_320 : i32
      %iota3A = tpu.iota {dimensions = array<i32: 0>} : vector<16xi32>
      %add3A_322 = vector.broadcast %mul3A_321 : i32 to vector<16xi32>
      %add3A_323 = arith.addi %add3A_322, %iota3A : vector<16xi32>
      %broadcast_in_dim3A_324 = arith.constant 0.000000e+00 : f32
      %broadcast_in_dim3A_325 = vector.broadcast %broadcast_in_dim3A_324 : f32 to vector<16xf32>
      %broadcast_in_dim3A_326 = arith.constant 0 : i32
      %broadcast_in_dim3A_327 = vector.broadcast %broadcast_in_dim3A_326 : i32 to vector<16xi32>
      %gather3A = tpu.vector_load_idx %arg13[%add3A_323, %broadcast_in_dim3A_327] : memref<512x32xf32, #tpu.memory_space<vmem>>[vector<16xi32>, vector<16xi32>], vector<16xf32>,
      %gather3A_328 = tpu.vector_load_idx %arg14[%add3A_323, %broadcast_in_dim3A_327] : memref<512x32xf32, #tpu.memory_space<vmem>>[vector<16xi32>, vector<16xi32>], vector<16xf32>,
      %mul3A_329 = arith.mulf %gather3A, %gather3A_328 : vector<16xf32>
      %add3A_330 = arith.addf %broadcast_in_dim3A_325, %mul3A_329 : vector<16xf32>
      %broadcast_in_dim3A_331 = arith.constant 1 : i32
      %broadcast_in_dim3A_332 = vector.broadcast %broadcast_in_dim3A_331 : i32 to vector<16xi32>
      %gather3A_333 = tpu.vector_load_idx %arg13[%add3A_323, %broadcast_in_dim3A_332] : memref<512x32xf32, #tpu.memory_space<vmem>>[vector<16xi32>, vector<16xi32>], vector<16xf32>,
      %gather3A_334 = tpu.vector_load_idx %arg14[%add3A_323, %broadcast_in_dim3A_332] : memref<512x32xf32, #tpu.memory_space<vmem>>[vector<16xi32>, vector<16xi32>], vector<16xf32>,
      %mul3A_335 = arith.mulf %gather3A_333, %gather3A_334 : vector<16xf32>
      %add3A_336 = arith.addf %add3A_330, %mul3A_335 : vector<16xf32>
      %broadcast_in_dim3A_337 = arith.constant 2 : i32
      %broadcast_in_dim3A_338 = vector.broadcast %broadcast_in_dim3A_337 : i32 to vector<16xi32>
      %gather3A_339 = tpu.vector_load_idx %arg13[%add3A_323, %broadcast_in_dim3A_338] : memref<512x32xf32, #tpu.memory_space<vmem>>[vector<16xi32>, vector<16xi32>], vector<16xf32>,
      %gather3A_340 = tpu.vector_load_idx %arg14[%add3A_323, %broadcast_in_dim3A_338] : memref<512x32xf32, #tpu.memory_space<vmem>>[vector<16xi32>, vector<16xi32>], vector<16xf32>,
      %mul3A_341 = arith.mulf %gather3A_339, %gather3A_340 : vector<16xf32>
      %add3A_342 = arith.addf %add3A_336, %mul3A_341 : vector<16xf32>
      %broadcast_in_dim3A_343 = arith.constant 3 : i32
      %broadcast_in_dim3A_344 = vector.broadcast %broadcast_in_dim3A_343 : i32 to vector<16xi32>
      %gather3A_345 = tpu.vector_load_idx %arg13[%add3A_323, %broadcast_in_dim3A_344] : memref<512x32xf32, #tpu.memory_space<vmem>>[vector<16xi32>, vector<16xi32>], vector<16xf32>,
      %gather3A_346 = tpu.vector_load_idx %arg14[%add3A_323, %broadcast_in_dim3A_344] : memref<512x32xf32, #tpu.memory_space<vmem>>[vector<16xi32>, vector<16xi32>], vector<16xf32>,
      %mul3A_347 = arith.mulf %gather3A_345, %gather3A_346 : vector<16xf32>
      %add3A_348 = arith.addf %add3A_342, %mul3A_347 : vector<16xf32>
      %broadcast_in_dim3A_349 = arith.constant 4 : i32
      %broadcast_in_dim3A_350 = vector.broadcast %broadcast_in_dim3A_349 : i32 to vector<16xi32>
      %gather3A_351 = tpu.vector_load_idx %arg13[%add3A_323, %broadcast_in_dim3A_350] : memref<512x32xf32, #tpu.memory_space<vmem>>[vector<16xi32>, vector<16xi32>], vector<16xf32>,
      %gather3A_352 = tpu.vector_load_idx %arg14[%add3A_323, %broadcast_in_dim3A_350] : memref<512x32xf32, #tpu.memory_space<vmem>>[vector<16xi32>, vector<16xi32>], vector<16xf32>,
      %mul3A_353 = arith.mulf %gather3A_351, %gather3A_352 : vector<16xf32>
      %add3A_354 = arith.addf %add3A_348, %mul3A_353 : vector<16xf32>
      %broadcast_in_dim3A_355 = arith.constant 5 : i32
      %broadcast_in_dim3A_356 = vector.broadcast %broadcast_in_dim3A_355 : i32 to vector<16xi32>
      %gather3A_357 = tpu.vector_load_idx %arg13[%add3A_323, %broadcast_in_dim3A_356] : memref<512x32xf32, #tpu.memory_space<vmem>>[vector<16xi32>, vector<16xi32>], vector<16xf32>,
      %gather3A_358 = tpu.vector_load_idx %arg14[%add3A_323, %broadcast_in_dim3A_356] : memref<512x32xf32, #tpu.memory_space<vmem>>[vector<16xi32>, vector<16xi32>], vector<16xf32>,
      %mul3A_359 = arith.mulf %gather3A_357, %gather3A_358 : vector<16xf32>
      %add3A_360 = arith.addf %add3A_354, %mul3A_359 : vector<16xf32>
      %broadcast_in_dim3A_361 = arith.constant 6 : i32
      %broadcast_in_dim3A_362 = vector.broadcast %broadcast_in_dim3A_361 : i32 to vector<16xi32>
      %gather3A_363 = tpu.vector_load_idx %arg13[%add3A_323, %broadcast_in_dim3A_362] : memref<512x32xf32, #tpu.memory_space<vmem>>[vector<16xi32>, vector<16xi32>], vector<16xf32>,
      %gather3A_364 = tpu.vector_load_idx %arg14[%add3A_323, %broadcast_in_dim3A_362] : memref<512x32xf32, #tpu.memory_space<vmem>>[vector<16xi32>, vector<16xi32>], vector<16xf32>,
      %mul3A_365 = arith.mulf %gather3A_363, %gather3A_364 : vector<16xf32>
      %add3A_366 = arith.addf %add3A_360, %mul3A_365 : vector<16xf32>
      %broadcast_in_dim3A_367 = arith.constant 7 : i32
      %broadcast_in_dim3A_368 = vector.broadcast %broadcast_in_dim3A_367 : i32 to vector<16xi32>
      %gather3A_369 = tpu.vector_load_idx %arg13[%add3A_323, %broadcast_in_dim3A_368] : memref<512x32xf32, #tpu.memory_space<vmem>>[vector<16xi32>, vector<16xi32>], vector<16xf32>,
      %gather3A_370 = tpu.vector_load_idx %arg14[%add3A_323, %broadcast_in_dim3A_368] : memref<512x32xf32, #tpu.memory_space<vmem>>[vector<16xi32>, vector<16xi32>], vector<16xf32>,
      %mul3A_371 = arith.mulf %gather3A_369, %gather3A_370 : vector<16xf32>
      %add3A_372 = arith.addf %add3A_366, %mul3A_371 : vector<16xf32>
      %broadcast_in_dim3A_373 = arith.constant 8 : i32
      %broadcast_in_dim3A_374 = vector.broadcast %broadcast_in_dim3A_373 : i32 to vector<16xi32>
      %gather3A_375 = tpu.vector_load_idx %arg13[%add3A_323, %broadcast_in_dim3A_374] : memref<512x32xf32, #tpu.memory_space<vmem>>[vector<16xi32>, vector<16xi32>], vector<16xf32>,
      %gather3A_376 = tpu.vector_load_idx %arg14[%add3A_323, %broadcast_in_dim3A_374] : memref<512x32xf32, #tpu.memory_space<vmem>>[vector<16xi32>, vector<16xi32>], vector<16xf32>,
      %mul3A_377 = arith.mulf %gather3A_375, %gather3A_376 : vector<16xf32>
      %add3A_378 = arith.addf %add3A_372, %mul3A_377 : vector<16xf32>
      %broadcast_in_dim3A_379 = arith.constant 9 : i32
      %broadcast_in_dim3A_380 = vector.broadcast %broadcast_in_dim3A_379 : i32 to vector<16xi32>
      %gather3A_381 = tpu.vector_load_idx %arg13[%add3A_323, %broadcast_in_dim3A_380] : memref<512x32xf32, #tpu.memory_space<vmem>>[vector<16xi32>, vector<16xi32>], vector<16xf32>,
      %gather3A_382 = tpu.vector_load_idx %arg14[%add3A_323, %broadcast_in_dim3A_380] : memref<512x32xf32, #tpu.memory_space<vmem>>[vector<16xi32>, vector<16xi32>], vector<16xf32>,
      %mul3A_383 = arith.mulf %gather3A_381, %gather3A_382 : vector<16xf32>
      %add3A_384 = arith.addf %add3A_378, %mul3A_383 : vector<16xf32>
      %broadcast_in_dim3A_385 = arith.constant 10 : i32
      %broadcast_in_dim3A_386 = vector.broadcast %broadcast_in_dim3A_385 : i32 to vector<16xi32>
      %gather3A_387 = tpu.vector_load_idx %arg13[%add3A_323, %broadcast_in_dim3A_386] : memref<512x32xf32, #tpu.memory_space<vmem>>[vector<16xi32>, vector<16xi32>], vector<16xf32>,
      %gather3A_388 = tpu.vector_load_idx %arg14[%add3A_323, %broadcast_in_dim3A_386] : memref<512x32xf32, #tpu.memory_space<vmem>>[vector<16xi32>, vector<16xi32>], vector<16xf32>,
      %mul3A_389 = arith.mulf %gather3A_387, %gather3A_388 : vector<16xf32>
      %add3A_390 = arith.addf %add3A_384, %mul3A_389 : vector<16xf32>
      %broadcast_in_dim3A_391 = arith.constant 11 : i32
      %broadcast_in_dim3A_392 = vector.broadcast %broadcast_in_dim3A_391 : i32 to vector<16xi32>
      %gather3A_393 = tpu.vector_load_idx %arg13[%add3A_323, %broadcast_in_dim3A_392] : memref<512x32xf32, #tpu.memory_space<vmem>>[vector<16xi32>, vector<16xi32>], vector<16xf32>,
      %gather3A_394 = tpu.vector_load_idx %arg14[%add3A_323, %broadcast_in_dim3A_392] : memref<512x32xf32, #tpu.memory_space<vmem>>[vector<16xi32>, vector<16xi32>], vector<16xf32>,
      %mul3A_395 = arith.mulf %gather3A_393, %gather3A_394 : vector<16xf32>
      %add3A_396 = arith.addf %add3A_390, %mul3A_395 : vector<16xf32>
      %broadcast_in_dim3A_397 = arith.constant 12 : i32
      %broadcast_in_dim3A_398 = vector.broadcast %broadcast_in_dim3A_397 : i32 to vector<16xi32>
      %gather3A_399 = tpu.vector_load_idx %arg13[%add3A_323, %broadcast_in_dim3A_398] : memref<512x32xf32, #tpu.memory_space<vmem>>[vector<16xi32>, vector<16xi32>], vector<16xf32>,
      %gather3A_400 = tpu.vector_load_idx %arg14[%add3A_323, %broadcast_in_dim3A_398] : memref<512x32xf32, #tpu.memory_space<vmem>>[vector<16xi32>, vector<16xi32>], vector<16xf32>,
      %mul3A_401 = arith.mulf %gather3A_399, %gather3A_400 : vector<16xf32>
      %add3A_402 = arith.addf %add3A_396, %mul3A_401 : vector<16xf32>
      %broadcast_in_dim3A_403 = arith.constant 13 : i32
      %broadcast_in_dim3A_404 = vector.broadcast %broadcast_in_dim3A_403 : i32 to vector<16xi32>
      %gather3A_405 = tpu.vector_load_idx %arg13[%add3A_323, %broadcast_in_dim3A_404] : memref<512x32xf32, #tpu.memory_space<vmem>>[vector<16xi32>, vector<16xi32>], vector<16xf32>,
      %gather3A_406 = tpu.vector_load_idx %arg14[%add3A_323, %broadcast_in_dim3A_404] : memref<512x32xf32, #tpu.memory_space<vmem>>[vector<16xi32>, vector<16xi32>], vector<16xf32>,
      %mul3A_407 = arith.mulf %gather3A_405, %gather3A_406 : vector<16xf32>
      %add3A_408 = arith.addf %add3A_402, %mul3A_407 : vector<16xf32>
      %broadcast_in_dim3A_409 = arith.constant 14 : i32
      %broadcast_in_dim3A_410 = vector.broadcast %broadcast_in_dim3A_409 : i32 to vector<16xi32>
      %gather3A_411 = tpu.vector_load_idx %arg13[%add3A_323, %broadcast_in_dim3A_410] : memref<512x32xf32, #tpu.memory_space<vmem>>[vector<16xi32>, vector<16xi32>], vector<16xf32>,
      %gather3A_412 = tpu.vector_load_idx %arg14[%add3A_323, %broadcast_in_dim3A_410] : memref<512x32xf32, #tpu.memory_space<vmem>>[vector<16xi32>, vector<16xi32>], vector<16xf32>,
      %mul3A_413 = arith.mulf %gather3A_411, %gather3A_412 : vector<16xf32>
      %add3A_414 = arith.addf %add3A_408, %mul3A_413 : vector<16xf32>
      %broadcast_in_dim3A_415 = arith.constant 15 : i32
      %broadcast_in_dim3A_416 = vector.broadcast %broadcast_in_dim3A_415 : i32 to vector<16xi32>
      %gather3A_417 = tpu.vector_load_idx %arg13[%add3A_323, %broadcast_in_dim3A_416] : memref<512x32xf32, #tpu.memory_space<vmem>>[vector<16xi32>, vector<16xi32>], vector<16xf32>,
      %gather3A_418 = tpu.vector_load_idx %arg14[%add3A_323, %broadcast_in_dim3A_416] : memref<512x32xf32, #tpu.memory_space<vmem>>[vector<16xi32>, vector<16xi32>], vector<16xf32>,
      %mul3A_419 = arith.mulf %gather3A_417, %gather3A_418 : vector<16xf32>
      %add3A_420 = arith.addf %add3A_414, %mul3A_419 : vector<16xf32>
      %broadcast_in_dim3A_421 = arith.constant 16 : i32
      %broadcast_in_dim3A_422 = vector.broadcast %broadcast_in_dim3A_421 : i32 to vector<16xi32>
      %gather3A_423 = tpu.vector_load_idx %arg13[%add3A_323, %broadcast_in_dim3A_422] : memref<512x32xf32, #tpu.memory_space<vmem>>[vector<16xi32>, vector<16xi32>], vector<16xf32>,
      %gather3A_424 = tpu.vector_load_idx %arg14[%add3A_323, %broadcast_in_dim3A_422] : memref<512x32xf32, #tpu.memory_space<vmem>>[vector<16xi32>, vector<16xi32>], vector<16xf32>,
      %mul3A_425 = arith.mulf %gather3A_423, %gather3A_424 : vector<16xf32>
      %add3A_426 = arith.addf %add3A_420, %mul3A_425 : vector<16xf32>
      %broadcast_in_dim3A_427 = arith.constant 17 : i32
      %broadcast_in_dim3A_428 = vector.broadcast %broadcast_in_dim3A_427 : i32 to vector<16xi32>
      %gather3A_429 = tpu.vector_load_idx %arg13[%add3A_323, %broadcast_in_dim3A_428] : memref<512x32xf32, #tpu.memory_space<vmem>>[vector<16xi32>, vector<16xi32>], vector<16xf32>,
      %gather3A_430 = tpu.vector_load_idx %arg14[%add3A_323, %broadcast_in_dim3A_428] : memref<512x32xf32, #tpu.memory_space<vmem>>[vector<16xi32>, vector<16xi32>], vector<16xf32>,
      %mul3A_431 = arith.mulf %gather3A_429, %gather3A_430 : vector<16xf32>
      %add3A_432 = arith.addf %add3A_426, %mul3A_431 : vector<16xf32>
      %broadcast_in_dim3A_433 = arith.constant 18 : i32
      %broadcast_in_dim3A_434 = vector.broadcast %broadcast_in_dim3A_433 : i32 to vector<16xi32>
      %gather3A_435 = tpu.vector_load_idx %arg13[%add3A_323, %broadcast_in_dim3A_434] : memref<512x32xf32, #tpu.memory_space<vmem>>[vector<16xi32>, vector<16xi32>], vector<16xf32>,
      %gather3A_436 = tpu.vector_load_idx %arg14[%add3A_323, %broadcast_in_dim3A_434] : memref<512x32xf32, #tpu.memory_space<vmem>>[vector<16xi32>, vector<16xi32>], vector<16xf32>,
      %mul3A_437 = arith.mulf %gather3A_435, %gather3A_436 : vector<16xf32>
      %add3A_438 = arith.addf %add3A_432, %mul3A_437 : vector<16xf32>
      %broadcast_in_dim3A_439 = arith.constant 19 : i32
      %broadcast_in_dim3A_440 = vector.broadcast %broadcast_in_dim3A_439 : i32 to vector<16xi32>
      %gather3A_441 = tpu.vector_load_idx %arg13[%add3A_323, %broadcast_in_dim3A_440] : memref<512x32xf32, #tpu.memory_space<vmem>>[vector<16xi32>, vector<16xi32>], vector<16xf32>,
      %gather3A_442 = tpu.vector_load_idx %arg14[%add3A_323, %broadcast_in_dim3A_440] : memref<512x32xf32, #tpu.memory_space<vmem>>[vector<16xi32>, vector<16xi32>], vector<16xf32>,
      %mul3A_443 = arith.mulf %gather3A_441, %gather3A_442 : vector<16xf32>
      %add3A_444 = arith.addf %add3A_438, %mul3A_443 : vector<16xf32>
      %broadcast_in_dim3A_445 = arith.constant 20 : i32
      %broadcast_in_dim3A_446 = vector.broadcast %broadcast_in_dim3A_445 : i32 to vector<16xi32>
      %gather3A_447 = tpu.vector_load_idx %arg13[%add3A_323, %broadcast_in_dim3A_446] : memref<512x32xf32, #tpu.memory_space<vmem>>[vector<16xi32>, vector<16xi32>], vector<16xf32>,
      %gather3A_448 = tpu.vector_load_idx %arg14[%add3A_323, %broadcast_in_dim3A_446] : memref<512x32xf32, #tpu.memory_space<vmem>>[vector<16xi32>, vector<16xi32>], vector<16xf32>,
      %mul3A_449 = arith.mulf %gather3A_447, %gather3A_448 : vector<16xf32>
      %add3A_450 = arith.addf %add3A_444, %mul3A_449 : vector<16xf32>
      %broadcast_in_dim3A_451 = arith.constant 21 : i32
      %broadcast_in_dim3A_452 = vector.broadcast %broadcast_in_dim3A_451 : i32 to vector<16xi32>
      %gather3A_453 = tpu.vector_load_idx %arg13[%add3A_323, %broadcast_in_dim3A_452] : memref<512x32xf32, #tpu.memory_space<vmem>>[vector<16xi32>, vector<16xi32>], vector<16xf32>,
      %gather3A_454 = tpu.vector_load_idx %arg14[%add3A_323, %broadcast_in_dim3A_452] : memref<512x32xf32, #tpu.memory_space<vmem>>[vector<16xi32>, vector<16xi32>], vector<16xf32>,
      %mul3A_455 = arith.mulf %gather3A_453, %gather3A_454 : vector<16xf32>
      %add3A_456 = arith.addf %add3A_450, %mul3A_455 : vector<16xf32>
      %broadcast_in_dim3A_457 = arith.constant 22 : i32
      %broadcast_in_dim3A_458 = vector.broadcast %broadcast_in_dim3A_457 : i32 to vector<16xi32>
      %gather3A_459 = tpu.vector_load_idx %arg13[%add3A_323, %broadcast_in_dim3A_458] : memref<512x32xf32, #tpu.memory_space<vmem>>[vector<16xi32>, vector<16xi32>], vector<16xf32>,
      %gather3A_460 = tpu.vector_load_idx %arg14[%add3A_323, %broadcast_in_dim3A_458] : memref<512x32xf32, #tpu.memory_space<vmem>>[vector<16xi32>, vector<16xi32>], vector<16xf32>,
      %mul3A_461 = arith.mulf %gather3A_459, %gather3A_460 : vector<16xf32>
      %add3A_462 = arith.addf %add3A_456, %mul3A_461 : vector<16xf32>
      %broadcast_in_dim3A_463 = arith.constant 23 : i32
      %broadcast_in_dim3A_464 = vector.broadcast %broadcast_in_dim3A_463 : i32 to vector<16xi32>
      %gather3A_465 = tpu.vector_load_idx %arg13[%add3A_323, %broadcast_in_dim3A_464] : memref<512x32xf32, #tpu.memory_space<vmem>>[vector<16xi32>, vector<16xi32>], vector<16xf32>,
      %gather3A_466 = tpu.vector_load_idx %arg14[%add3A_323, %broadcast_in_dim3A_464] : memref<512x32xf32, #tpu.memory_space<vmem>>[vector<16xi32>, vector<16xi32>], vector<16xf32>,
      %mul3A_467 = arith.mulf %gather3A_465, %gather3A_466 : vector<16xf32>
      %add3A_468 = arith.addf %add3A_462, %mul3A_467 : vector<16xf32>
      %broadcast_in_dim3A_469 = arith.constant 24 : i32
      %broadcast_in_dim3A_470 = vector.broadcast %broadcast_in_dim3A_469 : i32 to vector<16xi32>
      %gather3A_471 = tpu.vector_load_idx %arg13[%add3A_323, %broadcast_in_dim3A_470] : memref<512x32xf32, #tpu.memory_space<vmem>>[vector<16xi32>, vector<16xi32>], vector<16xf32>,
      %gather3A_472 = tpu.vector_load_idx %arg14[%add3A_323, %broadcast_in_dim3A_470] : memref<512x32xf32, #tpu.memory_space<vmem>>[vector<16xi32>, vector<16xi32>], vector<16xf32>,
      %mul3A_473 = arith.mulf %gather3A_471, %gather3A_472 : vector<16xf32>
      %add3A_474 = arith.addf %add3A_468, %mul3A_473 : vector<16xf32>
      %broadcast_in_dim3A_475 = arith.constant 25 : i32
      %broadcast_in_dim3A_476 = vector.broadcast %broadcast_in_dim3A_475 : i32 to vector<16xi32>
      %gather3A_477 = tpu.vector_load_idx %arg13[%add3A_323, %broadcast_in_dim3A_476] : memref<512x32xf32, #tpu.memory_space<vmem>>[vector<16xi32>, vector<16xi32>], vector<16xf32>,
      %gather3A_478 = tpu.vector_load_idx %arg14[%add3A_323, %broadcast_in_dim3A_476] : memref<512x32xf32, #tpu.memory_space<vmem>>[vector<16xi32>, vector<16xi32>], vector<16xf32>,
      %mul3A_479 = arith.mulf %gather3A_477, %gather3A_478 : vector<16xf32>
      %add3A_480 = arith.addf %add3A_474, %mul3A_479 : vector<16xf32>
      %broadcast_in_dim3A_481 = arith.constant 26 : i32
      %broadcast_in_dim3A_482 = vector.broadcast %broadcast_in_dim3A_481 : i32 to vector<16xi32>
      %gather3A_483 = tpu.vector_load_idx %arg13[%add3A_323, %broadcast_in_dim3A_482] : memref<512x32xf32, #tpu.memory_space<vmem>>[vector<16xi32>, vector<16xi32>], vector<16xf32>,
      %gather3A_484 = tpu.vector_load_idx %arg14[%add3A_323, %broadcast_in_dim3A_482] : memref<512x32xf32, #tpu.memory_space<vmem>>[vector<16xi32>, vector<16xi32>], vector<16xf32>,
      %mul3A_485 = arith.mulf %gather3A_483, %gather3A_484 : vector<16xf32>
      %add3A_486 = arith.addf %add3A_480, %mul3A_485 : vector<16xf32>
      %broadcast_in_dim3A_487 = arith.constant 27 : i32
      %broadcast_in_dim3A_488 = vector.broadcast %broadcast_in_dim3A_487 : i32 to vector<16xi32>
      %gather3A_489 = tpu.vector_load_idx %arg13[%add3A_323, %broadcast_in_dim3A_488] : memref<512x32xf32, #tpu.memory_space<vmem>>[vector<16xi32>, vector<16xi32>], vector<16xf32>,
      %gather3A_490 = tpu.vector_load_idx %arg14[%add3A_323, %broadcast_in_dim3A_488] : memref<512x32xf32, #tpu.memory_space<vmem>>[vector<16xi32>, vector<16xi32>], vector<16xf32>,
      %mul3A_491 = arith.mulf %gather3A_489, %gather3A_490 : vector<16xf32>
      %add3A_492 = arith.addf %add3A_486, %mul3A_491 : vector<16xf32>
      %broadcast_in_dim3A_493 = arith.constant 28 : i32
      %broadcast_in_dim3A_494 = vector.broadcast %broadcast_in_dim3A_493 : i32 to vector<16xi32>
      %gather3A_495 = tpu.vector_load_idx %arg13[%add3A_323, %broadcast_in_dim3A_494] : memref<512x32xf32, #tpu.memory_space<vmem>>[vector<16xi32>, vector<16xi32>], vector<16xf32>,
      %gather3A_496 = tpu.vector_load_idx %arg14[%add3A_323, %broadcast_in_dim3A_494] : memref<512x32xf32, #tpu.memory_space<vmem>>[vector<16xi32>, vector<16xi32>], vector<16xf32>,
      %mul3A_497 = arith.mulf %gather3A_495, %gather3A_496 : vector<16xf32>
      %add3A_498 = arith.addf %add3A_492, %mul3A_497 : vector<16xf32>
      %broadcast_in_dim3A_499 = arith.constant 29 : i32
      %broadcast_in_dim3A_500 = vector.broadcast %broadcast_in_dim3A_499 : i32 to vector<16xi32>
      %gather3A_501 = tpu.vector_load_idx %arg13[%add3A_323, %broadcast_in_dim3A_500] : memref<512x32xf32, #tpu.memory_space<vmem>>[vector<16xi32>, vector<16xi32>], vector<16xf32>,
      %gather3A_502 = tpu.vector_load_idx %arg14[%add3A_323, %broadcast_in_dim3A_500] : memref<512x32xf32, #tpu.memory_space<vmem>>[vector<16xi32>, vector<16xi32>], vector<16xf32>,
      %mul3A_503 = arith.mulf %gather3A_501, %gather3A_502 : vector<16xf32>
      %add3A_504 = arith.addf %add3A_498, %mul3A_503 : vector<16xf32>
      %broadcast_in_dim3A_505 = arith.constant 30 : i32
      %broadcast_in_dim3A_506 = vector.broadcast %broadcast_in_dim3A_505 : i32 to vector<16xi32>
      %gather3A_507 = tpu.vector_load_idx %arg13[%add3A_323, %broadcast_in_dim3A_506] : memref<512x32xf32, #tpu.memory_space<vmem>>[vector<16xi32>, vector<16xi32>], vector<16xf32>,
      %gather3A_508 = tpu.vector_load_idx %arg14[%add3A_323, %broadcast_in_dim3A_506] : memref<512x32xf32, #tpu.memory_space<vmem>>[vector<16xi32>, vector<16xi32>], vector<16xf32>,
      %mul3A_509 = arith.mulf %gather3A_507, %gather3A_508 : vector<16xf32>
      %add3A_510 = arith.addf %add3A_504, %mul3A_509 : vector<16xf32>
      %broadcast_in_dim3A_511 = arith.constant 31 : i32
      %broadcast_in_dim3A_512 = vector.broadcast %broadcast_in_dim3A_511 : i32 to vector<16xi32>
      %gather3A_513 = tpu.vector_load_idx %arg13[%add3A_323, %broadcast_in_dim3A_512] : memref<512x32xf32, #tpu.memory_space<vmem>>[vector<16xi32>, vector<16xi32>], vector<16xf32>,
      %gather3A_514 = tpu.vector_load_idx %arg14[%add3A_323, %broadcast_in_dim3A_512] : memref<512x32xf32, #tpu.memory_space<vmem>>[vector<16xi32>, vector<16xi32>], vector<16xf32>,
      %mul3A_515 = arith.mulf %gather3A_513, %gather3A_514 : vector<16xf32>
      %add3A_516 = arith.addf %add3A_510, %mul3A_515 : vector<16xf32>
      %mul3A_517 = arith.constant 16 : i32
      %mul3A_518 = arith.muli %scan3A_318, %mul3A_517 : i32
      %get3A = arith.index_cast %mul3A_518 : i32 to index
      %get3A_519 = tpu.vector_load %arg15[%get3A] {strides = array<i32>} : memref<512xf32, #tpu.memory_space<vmem>>, vector<16xf32>,
      %add3A_520 = arith.addf %add3A_516, %get3A_519 : vector<16xf32>
      %get3A_521 = arith.index_cast %mul3A_518 : i32 to index
      %get3A_522 = tpu.vector_load %arg16[%get3A_521] {strides = array<i32>} : memref<512xf32, #tpu.memory_space<vmem>>, vector<16xf32>,
      %add3A_523 = arith.addf %add3A_520, %get3A_522 : vector<16xf32>
      %get3A_524 = arith.index_cast %mul3A_518 : i32 to index
      %get3A_525 = tpu.vector_load %arg17[%get3A_524] {strides = array<i32>} : memref<512xf32, #tpu.memory_space<vmem>>, vector<16xf32>,
      %sub3A = arith.subf %add3A_523, %get3A_525 : vector<16xf32>
      %get3A_526 = arith.index_cast %mul3A_518 : i32 to index
      %get3A_527 = tpu.vector_load %arg18[%get3A_526] {strides = array<i32>} : memref<512xf32, #tpu.memory_space<vmem>>, vector<16xf32>,
      %mul3A_528 = arith.mulf %get3A_527, %sub3A : vector<16xf32>
      %mul3A_529 = arith.mulf %mul3A_528, %sub3A : vector<16xf32>
      %add3A_530 = arith.addf %scan3A_319, %mul3A_529 : vector<16xf32>
      scf.yield %add3A_530 : vector<16xf32>
    }
    %scan3A_316 = arith.constant 32 : i32
    %swap3A = arith.constant 0 : index
    %swap3A_317 = tpu.vector_load %arg19[%swap3A] {strides = array<i32>} : memref<16xf32, #tpu.memory_space<vmem>>, vector<16xf32>,
    tpu.vector_store %arg19[%swap3A], %scan3A_315 {strides = array<i32>} : memref<16xf32, #tpu.memory_space<vmem>>, vector<16xf32>,
    "tpu.region"() ({
      %run_scoped3A = tpu.sem_alloc : memref<!tpu.dma_semaphore, #tpu.memory_space<semaphore_mem>>
      %dma_start3A_318 = arith.constant 0 : i32
      %dma_start3A_319 = tpu.memref_slice %arg10[%add3A, %dma_start3A_318] : memref<32x16xf32, #tpu.memory_space<hbm>> -> memref<1x16xf32, #tpu.memory_space<hbm>>
      %dma_start3A_320 = tpu.memref_squeeze %dma_start3A_319 : memref<1x16xf32, #tpu.memory_space<hbm>> -> memref<16xf32, #tpu.memory_space<hbm>>
      %dma_start3A_321 = arith.constant 0 : i32
      %dma_start3A_322 = tpu.memref_slice %arg10[%add3A, %dma_start3A_321] : memref<32x16xf32, #tpu.memory_space<hbm>> -> memref<1x16xf32, #tpu.memory_space<hbm>>
      %dma_start3A_323 = tpu.memref_squeeze %dma_start3A_322 : memref<1x16xf32, #tpu.memory_space<hbm>> -> memref<16xf32, #tpu.memory_space<hbm>>
      tpu.enqueue_dma source(%arg19 : memref<16xf32, #tpu.memory_space<vmem>>) target(%dma_start3A_323 : memref<16xf32, #tpu.memory_space<hbm>>) target_semaphore(%run_scoped3A : memref<!tpu.dma_semaphore, #tpu.memory_space<semaphore_mem>>)
      %dma_wait3A_324 = arith.constant 0 : i32
      %dma_wait3A_325 = tpu.memref_slice %arg10[%add3A, %dma_wait3A_324] : memref<32x16xf32, #tpu.memory_space<hbm>> -> memref<1x16xf32, #tpu.memory_space<hbm>>
      %dma_wait3A_326 = tpu.memref_squeeze %dma_wait3A_325 : memref<1x16xf32, #tpu.memory_space<hbm>> -> memref<16xf32, #tpu.memory_space<hbm>>
      %dma_wait3A_327 = arith.constant 0 : i32
      %dma_wait3A_328 = tpu.memref_slice %arg10[%add3A, %dma_wait3A_327] : memref<32x16xf32, #tpu.memory_space<hbm>> -> memref<1x16xf32, #tpu.memory_space<hbm>>
      %dma_wait3A_329 = tpu.memref_squeeze %dma_wait3A_328 : memref<1x16xf32, #tpu.memory_space<hbm>> -> memref<16xf32, #tpu.memory_space<hbm>>
      tpu.wait_dma2 semaphore(%run_scoped3A : memref<!tpu.dma_semaphore, #tpu.memory_space<semaphore_mem>>) src(%arg19 : memref<16xf32, #tpu.memory_space<vmem>>) dst(%dma_wait3A_329 : memref<16xf32, #tpu.memory_space<hbm>>)
      tpu.yield
    }) : () -> ()
    return
  }
}

</mosaic_0001>

<sc_bundles>
// kernel: _sc_partials.3.cloned.1.call-start
scs
__scs_entry_jumppad:
0x0: {  	(pc) =	sbr.rel $0x88, $3  }
0x1: {  	(tag) =	ssettag $0x0;
	lr =	simm.s32 $0x1  }
0x2: {  	[smem:$0x3F99] =	sst lr;
	_ =	strace $0xD0000000  }
0x3: {  	_ = 	snop  }
0x4: {  	_ = 	snop  }
0x5: {  	_ = 	snop  }
0x6: {  	_ = 	snop  }
0x7: {  	_ = 	snop  }
__scs_overlays_trampoline_lowered:
0x8: {  	[smem:$0x3FA8] =	sst s0  }
0x9: {  	[smem:$0x3FA9] =	sst s1  }
0xa: {  	[smem:$0x3FAA] =	sst s2  }
0xb: {  	[smem:$0x3FAB] =	sst s3  }
0xc: {  	[smem:$0x3FAC] =	sst s4  }
0xd: {  	[smem:$0x3FAD] =	sst s5  }
0xe: {  	[smem:$0x3FAE] =	sst s6  }
0xf: {  	[smem:$0x3FAF] =	sst s7  }
0x10: {  	[smem:$0x3FB0] =	sst s8  }
0x11: {  	[smem:$0x3FB1] =	sst s9;
	s0 =	simm.s32 @!p0 $0x0  }
0x12: {  	s1 =	sld [smem:$0x3F97];
	s0 =	simm.s32 @p0 $0x1  }
0x13: {  	[smem:$0x3FB2] =	sst s0;
	s0 =	simm.s32 @!p1 $0x0  }
0x14: {  	s2 =	sld [smem:$0x3F96];
	s0 =	simm.s32 @p1 $0x1  }
0x15: {  	[smem:$0x3FB3] =	sst s0;
	s0 =	simm.s32 @!p2 $0x0  }
0x16: {  	s3 =	sld [smem:$0x3FDB];
	s0 =	simm.s32 @p2 $0x1  }
0x17: {  	s4 =	simm.s32 $0x1BF5;
	[smem:$0x3FB5] =	sst s0  }
0x18: {  	s0 =	sld [smem:$0x3F98];
	_ =	swait.ge [sflag:s4], $0x0  }
0x19: {  	s7 =	sld [smem:$0x3F99]  }
0x1a: {  	s8 =	sadd.s32 $0xFFFFE003, lr  }
0x1b: {  	s9 =	sadd.s32 $0xFFFFFEF7, lr;
	s5 =	simm.s32 $0xFFFFFFFF;
	p2 =	slt.u32 s8, $0xFFFFF086  }
0x1c: {  	p1 =	slt.u32 s9, $0xF7A;
	s5 =	simm.s32 @!p2 $0x0  }
0x1d: {  	s5 =	simm.s32 @p1 $0x1;
	p0 =	seq.s32 s7, s2  }
0x1e: {  	s7 =	smul.u32 @!p0 $0xF7A, s2;
	p2 =	seq.s32 @!p0 s5, $0x0  }
0x1f: {  	s9 =	smul.u32 $0xF7A, s1;
	s8 =	simm.s32 @!p0 $0x1BF5;
	p2 =	por !p2, p0  }
0x20: {  	[sflag:s8] =	ssyncset.s32 @!p0 $0xFFFFF086;
	s6 =	sadd.s32 @!p0 s3, s7;
	s7 =	simm.s32 @!p0 $0x108  }
0x21: {  	s3 =	sadd.s32 s3, s9;
	s6 =	sadd.s32 @!p0 $0x88, s6;
	s7 =	simm.s32 @p2 $0x1082  }
0x22: {  	[simem:s7], [sflag:s8] =	dma.local @!p0 [hbm:s6], $0xF7A  }
0x23: {  	s9 =	sor.u32 $0xD0000000, s2;
	s6 =	simm.s32 $0x108;
	_ =	swait.ge @!p0 [sflag:s8], $0x0  }
0x24: {  	s3 =	sadd.s32 $0x88, s3;
	s6 =	simm.s32 @!p1 $0x1082;
	[sflag:s4] =	ssyncset.s32 $0xFFFFF086  }
0x25: {  	[simem:s6], [sflag:s4] =	dma.local [hbm:s3], $0xF7A  }
0x26: {  	[smem:$0x3F99] =	sst s1;
	(tag) =	ssettag s2;
	_ =	strace s9  }
0x27: {  	s1 =	sld [smem:$0x3FA9]  }
0x28: {  	s2 =	sld [smem:$0x3FAA]  }
0x29: {  	s4 =	sld [smem:$0x3FAC]  }
0x2a: {  	p0 =	seq.s32 s5, $0x0;
	s5 =	sld [smem:$0x3FAD]  }
0x2b: {  	s6 =	sld [smem:$0x3FAE]  }
0x2c: {  	s7 =	sld [smem:$0x3FAF]  }
0x2d: {  	s3 =	simm.s32 $0x108;
	s8 =	sld [smem:$0x3FB0]  }
0x2e: {  	s3 =	simm.s32 @!p0 $0x1082;
	s9 =	sld [smem:$0x3FB1]  }
0x2f: {  	lr =	sadd.s32 s0, s3;
	s0 =	sld [smem:$0x3FA8]  }
0x30: {  	s3 =	sld [smem:$0x3FAB]  }
0x31: {  	[smem:$0x3FB4] =	sst s10  }
0x32: {  	s10 =	sld [smem:$0x3FB2];
	_ =	sdelay $0x3  }
0x33: {  	p0 =	seq.s32 s10, $0x1;
	s10 =	sld [smem:$0x3FB4];
	_ =	sdelay $0x3  }
0x34: {  	[smem:$0x3FB4] =	sst s10  }
0x35: {  	s10 =	sld [smem:$0x3FB3];
	_ =	sdelay $0x3  }
0x36: {  	p1 =	seq.s32 s10, $0x1;
	s10 =	sld [smem:$0x3FB4];
	_ =	sdelay $0x3  }
0x37: {  	[smem:$0x3FB4] =	sst s10  }
0x38: {  	s10 =	sld [smem:$0x3FB5]  }
0x39: {  	_ = 	snop;
	(pc) =	sbr.ind lr, $3  }
0x3a: {  	_ = 	snop  }
0x3b: {  	_ = 	snop  }
0x3c: {  	p2 =	seq.s32 s10, $0x1;
	s10 =	sld [smem:$0x3FB4]  }
0x3d: {  	_ =	shalt  }
0x3e: {  	_ =	shalt  }
0x3f: {  	_ =	shalt  }
0x40: {  	_ =	shalt  }
0x41: {  	_ =	shalt  }
0x42: {  	_ =	shalt  }
0x43: {  	_ =	shalt  }
0x44: {  	_ =	shalt  }
0x45: {  	_ =	shalt  }
0x46: {  	_ =	shalt  }
0x47: {  	_ =	shalt  }
0x48: {  	_ =	shalt  }
0x49: {  	_ =	shalt  }
0x4a: {  	_ =	shalt  }
0x4b: {  	_ =	shalt  }
0x4c: {  	_ =	shalt  }
0x4d: {  	_ =	shalt  }
0x4e: {  	_ =	shalt  }
0x4f: {  	_ =	shalt  }
0x50: {  	_ =	shalt  }
0x51: {  	_ =	shalt  }
0x52: {  	_ =	shalt  }
0x53: {  	_ =	shalt  }
0x54: {  	_ =	shalt  }
0x55: {  	_ =	shalt  }
0x56: {  	_ =	shalt  }
0x57: {  	_ =	shalt  }
0x58: {  	_ =	shalt  }
0x59: {  	_ =	shalt  }
0x5a: {  	_ =	shalt  }
0x5b: {  	_ =	shalt  }
0x5c: {  	_ =	shalt  }
0x5d: {  	_ =	shalt  }
0x5e: {  	_ =	shalt  }
0x5f: {  	_ =	shalt  }
0x60: {  	_ =	shalt  }
0x61: {  	_ =	shalt  }
0x62: {  	_ =	shalt  }
0x63: {  	_ =	shalt  }
0x64: {  	_ =	shalt  }
0x65: {  	_ =	shalt  }
0x66: {  	_ =	shalt  }
0x67: {  	_ =	shalt  }
0x68: {  	_ =	shalt  }
0x69: {  	_ =	shalt  }
0x6a: {  	_ =	shalt  }
0x6b: {  	_ =	shalt  }
0x6c: {  	_ =	shalt  }
0x6d: {  	_ =	shalt  }
0x6e: {  	_ =	shalt  }
0x6f: {  	_ =	shalt  }
0x70: {  	_ =	shalt  }
0x71: {  	_ =	shalt  }
0x72: {  	_ =	shalt  }
0x73: {  	_ =	shalt  }
0x74: {  	_ =	shalt  }
0x75: {  	_ =	shalt  }
0x76: {  	_ =	shalt  }
0x77: {  	_ =	shalt  }
0x78: {  	_ =	shalt  }
0x79: {  	_ =	shalt  }
0x7a: {  	_ =	shalt  }
0x7b: {  	_ =	shalt  }
0x7c: {  	_ =	shalt  }
0x7d: {  	_ =	shalt  }
0x7e: {  	_ =	shalt  }
0x7f: {  	_ =	shalt  }
0x80: {  	_ =	shalt  }
0x81: {  	_ =	shalt  }
0x82: {  	_ =	shalt  }
0x83: {  	_ =	shalt  }
0x84: {  	_ =	shalt  }
0x85: {  	_ =	shalt  }
0x86: {  	_ =	shalt  }
0x87: {  	_ =	shalt  }
.Lfunc_end0:
.L_simem_size_0:
called_computation_lowered:
.L_overlay_start_0:
0x88: {  	s2 =	sld [smem:$0x3FD9]  }
0x89: {  	s3 =	sld [smem:$0x3FFE];
	_ =	sdelay $0x1  }
0x8a: {  	s1 =	srdreg.scid  }
0x8b: {  	s0 =	sand.u32 $0x1, s1  }
0x8c: {  	s17 =	sshll.u32 s0, $0xA;
	s2 =	sadd.s32 s3, s2  }
0x8d: {  	s2 =	sadd.s32 s2, s17  }
0x8e: {  	[smem:$0x3FC0] =	sst s2  }
0x8f: {  	_ = 	snop  }
0x90: {  	s2 =	sld [smem:$0x3FC9]  }
0x91: {  	s18 =	sld [smem:$0x3FC8]  }
0x92: {  	s4 =	sld [smem:$0x3FC3]  }
0x93: {  	s5 =	sld [smem:$0x3FC2]  }
0x94: {  	s6 =	sld [smem:$0x3FD0];
	(tm) =	ssettm $0x1  }
0x95: {  	s7 =	sld [smem:$0x3FFB];
	_ =	sdelay $0x3  }
0x96: {  	_ =	strace s7  }
0x97: {  	s7 =	sld [smem:$0x3FFC];
	_ =	sdelay $0x3  }
0x98: {  	_ =	strace s7  }
0x99: {  	s7 =	sld [smem:$0x3FFD];
	_ =	sdelay $0x3  }
0x9a: {  	_ =	strace s7  }
0x9b: {  	_ =	strace $0x8FFFFFFF  }
0x9c: {  	s19 =	sld [smem:$0x3FDB];
	_ =	sdelay $0x1  }
0x9d: {  	s8 =	simm.s32 $_scs_section_size  }
0x9e: {  	s9 =	simm.s32 $_size__tile_overlayer_lowered;
	s10 =	simm.s32 $_tile_overlayer_lowered  }
0x9f: {  	s22 =	simm.s32 $0x1BFF;
	s21 =	sshll.u32 s10, $0x1;
	s7 =	sadd.s32 s8, s19  }
0xa0: {  	s11 =	simm.s32 $0x0;
	s20 =	sshll.u32 s9, $0x1;
	s9 =	sadd.s32 s21, s7  }
0xa1: {  	[timem:s11], [sflag:s22] =	dma.local [hbm:s9], s20  }
0xa2: {  	_ =	swait.ge [sflag:s22], s20  }
0xa3: {  	s8 =	ssub.s32 $0x0, s20;
	[sflag:s22] =	ssyncset.done $0x0  }
0xa4: {  	[sflag:s22] =	ssyncadd.s32 s8;
	_ =	sdelay $0x1  }
0xa5: {  	s23 =	simm.s32 $0x1B8B  }
0xa6: {  	_ =	swait.ge [sflag:s23], $0x1  }
0xa7: {  	[sflag:s23] =	ssyncset.done $0x0  }
0xa8: {  	s25 =	simm.s32 $0x1B8E;
	s24 =	sld [smem:$0x3FFE];
	[sflag:s23] =	ssyncadd.s32 $0xFFFFFFFF  }
0xa9: {  	s26 =	simm.s32 $execute0_lowered;
	[smem:$0x3FD2] =	sst s25  }
0xaa: {  	s9 =	sshll.u32 s26, $0x1;
	_ =	strace $0x80000046;
	[dreg:$0x1] =	wrdreg $0xFFFFFFFF  }
0xab: {  	s28 =	simm.s32 $_size_execute0_lowered;
	s7 =	sadd.s32 s7, s9;
	[dreg:$0x0] =	wrdreg $0x0  }
0xac: {  	s9 =	sshll.u32 s28, $0x1;
	[dreg:$0x2] =	wrdreg s7  }
0xad: {  	[dreg:$0x3] =	wrdreg s9  }
0xae: {  	[dreg:$0x4] =	wrdreg $0xC0  }
0xaf: {  	_ =	task [dreg:s11], $0x5FFFF  }
0xb0: {  	[dreg:$0x1] =	wrdreg $0xFFFFFFFF  }
0xb1: {  	[dreg:$0x0] =	wrdreg $0x60  }
0xb2: {  	[dreg:$0x2] =	wrdreg s2  }
0xb3: {  	[dreg:$0x3] =	wrdreg s18  }
0xb4: {  	[dreg:$0x4] =	wrdreg s24  }
0xb5: {  	[dreg:$0x5] =	wrdreg s4  }
0xb6: {  	[dreg:$0x6] =	wrdreg s5  }
0xb7: {  	[dreg:$0x7] =	wrdreg s6  }
0xb8: {  	[dreg:$0x8] =	wrdreg $0x9  }
0xb9: {  	_ =	task.clear_ibuf [dreg:s11], $0x9FFFF;
	_ =	strace $0x90000046  }
0xba: {  	s29 =	simm.s32 $0x9;
	_ =	strace $0x80000048  }
0xbb: {  	_ =	swait.ge [sflag:s29], $0x1  }
0xbc: {  	[sflag:s29] =	ssyncadd.s32 $0xFFFFFFFF  }
0xbd: {  	_ =	strace $0x90000048  }
0xbe: {  	_ =	sfence  }
0xbf: {  	s30 =	sld [smem:$0x0];
	_ =	sdelay $0x2  }
0xc0: {  	s31 =	sshll.u32 s1, $0xD;
	s1 =	sshrl.u32 s1, $0x2  }
0xc1: {  	s3 =	sand.u32 $0x4000, s31;
	s1 =	sadd.s32 s1, s30  }
0xc2: {  	s0 =	sor.u32 s3, s0;
	s1 =	sshll.u32 s1, $0x11  }
0xc3: {  	s0 =	sor.u32 s1, s0  }
0xc4: {  	s0 =	sadd.s32 $0x8F2B, s0  }
0xc5: {  	[sflag:s0] =	ssyncadd.remote.s32 $0x1  }
0xc6: {  	_ =	sfence.sel $0xFFFF  }
0xc7: {  	[dreg:$0x0] =	wrdreg $0xFFFFFFFF;
	(pc) =	sbr.abs _section_cstart, $3  }
0xc8: {  	[dreg:$0x1] =	wrdreg $0xFFFFFFFF  }
0xc9: {  	_ =	task.clear_ibuf [dreg:s11], $0x2FFFF;
	_ =	strace $0x9FFFFFFF  }
0xca: {  	(tm) =	ssettm $0x7FFFFFFF  }
0xcb: {  	_ =	shalt  }
tec
execute0_lowered:
.L_overlay_start_1:
0x0: {  	(tag) =	ssettag $0x1  }
0x1: {  	s0 =	rddreg [dreg:$0x0]  }
0x2: {  	s2 =	rddreg [dreg:$0x1]  }
0x3: {  	s6 =	rddreg [dreg:$0x2]  }
0x4: {  	s1 =	rddreg [dreg:$0x3]  }
0x5: {  	s3 =	rddreg [dreg:$0x4]  }
0x6: {  	s4 =	srdreg.scid;
	s7 =	stileid.u32  }
0x7: {  	s11 =	rddreg [dreg:$0x5];
	s14 =	simm.s32 $0x200;
	s15 =	simm.s32 $0x80  }
0x8: {  	s16 =	simm.s32 $0x400;
	s17 =	simm.s32 $0x4400;
	s19 =	simm.s32 $0x280  }
0x9: {  	s23 =	simm.s32 $0x100;
	s25 =	simm.s32 $0x300;
	s30 =	simm.s32 $0x180  }
0xa: {  	s18 =	simm.s32 $0x8580;
	s20 =	simm.s32 $0x8780;
	s21 =	simm.s32 $0x1  }
0xb: {  	s22 =	simm.s32 $0x8C00;
	s5 =	sand.u32 $0x1, s4;
	s7 =	sshll.u32 s7, $0x1  }
0xc: {  	s24 =	simm.s32 $0x0;
	s4 =	simm.s32 $0x0;
	s12 =	sor.u32 s5, s7  }
0xd: {  	[smem:$0x7FF] =	sst s4;
	s29 =	ssub.s32 $0x2, s5;
	s5 =	sadd.s32 $0x1313600, s6  }
0xe: {  	s8 =	sshll.u32 s12, $0x6;
	_ =	strace $0x80000047;
	s9 =	sshrl.u32 s29, $0x1  }
0xf: {  	s31 =	sshll.u32 s12, $0x1;
	s10 =	sadd.s32 s8, s6;
	s6 =	sadd.s32 $0xF42C00, s6  }
0x10: {  	v0 =	vlaneseq.u32;
	s13 =	ssub.s32 s29, s9;
	s7 =	sadd.s32 s0, s8;
	s8 =	sadd.s32 s2, s8  }
0x11: {  	v0 =	vmul.u32 $0x20, v0;
	s11 =	sadd.s32 s11, s31;
	s2 =	simm.s32 $0x380;
	s9 =	sadd.s32 $0x1000, s10  }
0x12: {  	s10 =	sadd.s32 $0x800, s10;
	s12 =	smax.u32 s13, $0x1;
	s13 =	simm.s32 $0x2  }
.LBB2_1:
0x13: {  	[tilespmem:s4], [sflag:$0x2] =	stream.linear.gather [hbm4b:s7+s4], $0x200, $0x38;
	[tilespmem:$0x8C10] =	vst v63  }
0x14: {  	_ =	swait.ge [sflag:s13], $0x200  }
0x15: {  	[sflag:s13] =	ssyncset.done $0x0  }
0x16: {  	[sflag:s13] =	ssyncadd.s32 $0xFFFFFE00  }
0x17: {  	[tilespmem:s14], [sflag:$0x2] =	stream.linear.gather [hbm4b:s8+s4], $0x200, $0x38;
	[tilespmem:$0x8C10] =	vst v63  }
0x18: {  	_ =	swait.ge [sflag:s13], $0x200  }
0x19: {  	[sflag:s13] =	ssyncset.done $0x0  }
0x1a: {  	[sflag:s13] =	ssyncadd.s32 $0xFFFFFE00  }
0x1b: {  	[tilespmem:s16], [sflag:$0x1] =	stream.indirect.gather [hbm4b:s5+s15], $0x20, s4, s15, $0xb8;
	[tilespmem:$0x8C10] =	vst v63  }
0x1c: {  	_ = 	snop  }
0x1d: {  	[tilespmem:s17], [sflag:$0x1] =	stream.indirect.gather [hbm4b:s6+s15], $0x20, s14, s15, $0xb8;
	[tilespmem:$0x8C10] =	vst v63  }
0x1e: {  	s29 =	simm.s32 $0x8400  }
0x1f: {  	[tilespmem:s29], [sflag:$0x1] =	stream.indirect.gather [hbm4b:s1+s15], $0x1, s4, s15, $0xb8;
	[tilespmem:$0x8C10] =	vst v63  }
0x20: {  	s26 =	simm.s32 $0x8600  }
0x21: {  	[tilespmem:s26], [sflag:$0x1] =	stream.indirect.gather [hbm4b:s3+s15], $0x1, s14, s15, $0xb8;
	[tilespmem:$0x8C10] =	vst v63  }
0x22: {  	s0 =	simm.s32 $0x1400  }
0x23: {  	[tilespmem:s0], [sflag:$0x1] =	stream.indirect.gather [hbm4b:s5+s15], $0x20, s15, s15, $0xb8;
	[tilespmem:$0x8C10] =	vst v63  }
0x24: {  	s0 =	simm.s32 $0x5400  }
0x25: {  	[tilespmem:s0], [sflag:$0x1] =	stream.indirect.gather [hbm4b:s6+s15], $0x20, s19, s15, $0xb8;
	[tilespmem:$0x8C10] =	vst v63  }
0x26: {  	s0 =	simm.s32 $0x8480  }
0x27: {  	[tilespmem:s0], [sflag:$0x1] =	stream.indirect.gather [hbm4b:s1+s15], $0x1, s15, s15, $0xb8;
	[tilespmem:$0x8C10] =	vst v63  }
0x28: {  	s0 =	simm.s32 $0x8680  }
0x29: {  	[tilespmem:s0], [sflag:$0x1] =	stream.indirect.gather [hbm4b:s3+s15], $0x1, s19, s15, $0xb8;
	[tilespmem:$0x8C10] =	vst v63  }
0x2a: {  	s0 =	simm.s32 $0x2400  }
0x2b: {  	[tilespmem:s0], [sflag:$0x1] =	stream.indirect.gather [hbm4b:s5+s15], $0x20, s23, s15, $0xb8;
	[tilespmem:$0x8C10] =	vst v63  }
0x2c: {  	s0 =	simm.s32 $0x6400  }
0x2d: {  	[tilespmem:s0], [sflag:$0x1] =	stream.indirect.gather [hbm4b:s6+s15], $0x20, s25, s15, $0xb8;
	[tilespmem:$0x8C10] =	vst v63  }
0x2e: {  	s0 =	simm.s32 $0x8500  }
0x2f: {  	[tilespmem:s0], [sflag:$0x1] =	stream.indirect.gather [hbm4b:s1+s15], $0x1, s23, s15, $0xb8;
	[tilespmem:$0x8C10] =	vst v63  }
0x30: {  	s0 =	simm.s32 $0x8700  }
0x31: {  	[tilespmem:s0], [sflag:$0x1] =	stream.indirect.gather [hbm4b:s3+s15], $0x1, s25, s15, $0xb8;
	[tilespmem:$0x8C10] =	vst v63  }
0x32: {  	s0 =	simm.s32 $0x3400  }
0x33: {  	[tilespmem:s0], [sflag:$0x1] =	stream.indirect.gather [hbm4b:s5+s15], $0x20, s30, s15, $0xb8;
	[tilespmem:$0x8C10] =	vst v63  }
0x34: {  	s0 =	simm.s32 $0x7400  }
0x35: {  	[tilespmem:s0], [sflag:$0x1] =	stream.indirect.gather [hbm4b:s6+s15], $0x20, s2, s15, $0xb8;
	[tilespmem:$0x8C10] =	vst v63  }
0x36: {  	_ = 	snop  }
0x37: {  	[tilespmem:s18], [sflag:$0x1] =	stream.indirect.gather [hbm4b:s1+s15], $0x1, s30, s15, $0xb8;
	[tilespmem:$0x8C10] =	vst v63  }
0x38: {  	_ = 	snop  }
0x39: {  	[tilespmem:s20], [sflag:$0x1] =	stream.indirect.gather [hbm4b:s3+s15], $0x1, s2, s15, $0xb8;
	[tilespmem:$0x8C10] =	vst v63  }
0x3a: {  	s31 =	simm.s32 $0x8800  }
0x3b: {  	[tilespmem:s31], [sflag:$0x1] =	stream.linear.gather [hbm4b:s9+s4], $0x200, $0x38;
	[tilespmem:$0x8C10] =	vst v63  }
0x3c: {  	s28 =	simm.s32 $0x8A00  }
0x3d: {  	[tilespmem:s28], [sflag:$0x1] =	stream.linear.gather [hbm4b:s10+s4], $0x200, $0x38;
	[tilespmem:$0x8C10] =	vst v63  }
0x3e: {  	_ =	swait.ge [sflag:s21], $0x1000  }
0x3f: {  	[sflag:s21] =	ssyncset.done $0x0  }
0x40: {  	[sflag:s21] =	ssyncadd.s32 $0xFFFFF000  }
0x41: {  	_ =	swait.ge [sflag:s21], $0x1000  }
0x42: {  	[sflag:s21] =	ssyncset.done $0x0  }
0x43: {  	[sflag:s21] =	ssyncadd.s32 $0xFFFFF000  }
0x44: {  	_ =	swait.ge [sflag:s21], $0x80  }
0x45: {  	[sflag:s21] =	ssyncset.done $0x0  }
0x46: {  	[sflag:s21] =	ssyncadd.s32 $0xFFFFFF80  }
0x47: {  	_ =	swait.ge [sflag:s21], $0x80  }
0x48: {  	[sflag:s21] =	ssyncset.done $0x0  }
0x49: {  	[sflag:s21] =	ssyncadd.s32 $0xFFFFFF80  }
0x4a: {  	_ =	swait.ge [sflag:s21], $0x1000  }
0x4b: {  	[sflag:s21] =	ssyncset.done $0x0  }
0x4c: {  	[sflag:s21] =	ssyncadd.s32 $0xFFFFF000  }
0x4d: {  	_ =	swait.ge [sflag:s21], $0x1000  }
0x4e: {  	[sflag:s21] =	ssyncset.done $0x0  }
0x4f: {  	[sflag:s21] =	ssyncadd.s32 $0xFFFFF000  }
0x50: {  	_ =	swait.ge [sflag:s21], $0x80  }
0x51: {  	[sflag:s21] =	ssyncset.done $0x0  }
0x52: {  	[sflag:s21] =	ssyncadd.s32 $0xFFFFFF80  }
0x53: {  	_ =	swait.ge [sflag:s21], $0x80  }
0x54: {  	[sflag:s21] =	ssyncset.done $0x0  }
0x55: {  	[sflag:s21] =	ssyncadd.s32 $0xFFFFFF80  }
0x56: {  	_ =	swait.ge [sflag:s21], $0x1000  }
0x57: {  	[sflag:s21] =	ssyncset.done $0x0  }
0x58: {  	[sflag:s21] =	ssyncadd.s32 $0xFFFFF000  }
0x59: {  	_ =	swait.ge [sflag:s21], $0x1000  }
0x5a: {  	[sflag:s21] =	ssyncset.done $0x0  }
0x5b: {  	[sflag:s21] =	ssyncadd.s32 $0xFFFFF000  }
0x5c: {  	_ =	swait.ge [sflag:s21], $0x80  }
0x5d: {  	[sflag:s21] =	ssyncset.done $0x0  }
0x5e: {  	[sflag:s21] =	ssyncadd.s32 $0xFFFFFF80  }
0x5f: {  	_ =	swait.ge [sflag:s21], $0x80  }
0x60: {  	[sflag:s21] =	ssyncset.done $0x0  }
0x61: {  	[sflag:s21] =	ssyncadd.s32 $0xFFFFFF80  }
0x62: {  	_ =	swait.ge [sflag:s21], $0x1000  }
0x63: {  	[sflag:s21] =	ssyncset.done $0x0  }
0x64: {  	[sflag:s21] =	ssyncadd.s32 $0xFFFFF000  }
0x65: {  	_ =	swait.ge [sflag:s21], $0x1000  }
0x66: {  	[sflag:s21] =	ssyncset.done $0x0  }
0x67: {  	[sflag:s21] =	ssyncadd.s32 $0xFFFFF000  }
0x68: {  	_ =	swait.ge [sflag:s21], $0x80  }
0x69: {  	[sflag:s21] =	ssyncset.done $0x0  }
0x6a: {  	[sflag:s21] =	ssyncadd.s32 $0xFFFFFF80  }
0x6b: {  	_ =	swait.ge [sflag:s21], $0x80  }
0x6c: {  	[sflag:s21] =	ssyncset.done $0x0  }
0x6d: {  	v1 =	vmov s4;
	[sflag:s21] =	ssyncadd.s32 $0xFFFFFF80  }
0x6e: {  	v1 =	vshll.u32 v1, $0x5;
	_ =	swait.ge [sflag:s21], $0x200  }
0x6f: {  	v1 =	vor.u32 v0, v1;
	[sflag:s21] =	ssyncset.done $0x0  }
0x70: {  	[sflag:s21] =	ssyncadd.s32 $0xFFFFFE00  }
0x71: {  	v2 =	vor.u32 $0x1, v1;
	_ =	swait.ge [sflag:s21], $0x200  }
0x72: {  	[sflag:s21] =	ssyncset.done $0x0  }
0x73: {  	v3 =	vor.u32 $0x2, v1;
	[sflag:s21] =	ssyncadd.s32 $0xFFFFFE00  }
0x74: {  	v4 =	vld.idx.msk [tilespmem:v1+s16+$0x0], $0xffff  }
0x75: {  	v6 =	vor.u32 $0x3, v1;
	v5 =	vld.idx.msk [tilespmem:v1+s17+$0x0], $0xffff  }
0x76: {  	v7 =	vld.idx.msk [tilespmem:v2+s16+$0x0], $0xffff  }
0x77: {  	v8 =	vor.u32 $0x4, v1;
	v2 =	vld.idx.msk [tilespmem:v2+s17+$0x0], $0xffff  }
0x78: {  	v9 =	vld.idx.msk [tilespmem:v3+s16+$0x0], $0xffff  }
0x79: {  	v10 =	vor.u32 $0x5, v1;
	v3 =	vld.idx.msk [tilespmem:v3+s17+$0x0], $0xffff  }
0x7a: {  	v11 =	vld.idx.msk [tilespmem:v6+s16+$0x0], $0xffff  }
0x7b: {  	v12 =	vor.u32 $0x6, v1;
	v6 =	vld.idx.msk [tilespmem:v6+s17+$0x0], $0xffff  }
0x7c: {  	v33 =	vld.idx.msk [tilespmem:v8+s16+$0x0], $0xffff  }
0x7d: {  	v13 =	vor.u32 $0x7, v1;
	v34 =	vld.idx.msk [tilespmem:v8+s17+$0x0], $0xffff  }
0x7e: {  	v35 =	vld.idx.msk [tilespmem:v10+s16+$0x0], $0xffff  }
0x7f: {  	v8 =	vor.u32 $0x8, v1;
	v36 =	vld.idx.msk [tilespmem:v10+s17+$0x0], $0xffff  }
0x80: {  	v37 =	vld.idx.msk [tilespmem:v12+s16+$0x0], $0xffff  }
0x81: {  	v10 =	vor.u32 $0x9, v1;
	v38 =	vld.idx.msk [tilespmem:v12+s17+$0x0], $0xffff  }
0x82: {  	v39 =	vld.idx.msk [tilespmem:v13+s16+$0x0], $0xffff  }
0x83: {  	v12 =	vor.u32 $0xA, v1;
	v40 =	vld.idx.msk [tilespmem:v13+s17+$0x0], $0xffff  }
0x84: {  	v41 =	vld.idx.msk [tilespmem:v8+s16+$0x0], $0xffff  }
0x85: {  	v42 =	vld.idx.msk [tilespmem:v8+s17+$0x0], $0xffff;
	v8 =	vor.u32 $0xB, v1  }
0x86: {  	v43 =	vld.idx.msk [tilespmem:v10+s16+$0x0], $0xffff  }
0x87: {  	v44 =	vld.idx.msk [tilespmem:v10+s17+$0x0], $0xffff;
	v10 =	vor.u32 $0xC, v1  }
0x88: {  	v45 =	vld.idx.msk [tilespmem:v12+s16+$0x0], $0xffff  }
0x89: {  	v46 =	vld.idx.msk [tilespmem:v12+s17+$0x0], $0xffff;
	v12 =	vor.u32 $0xD, v1  }
0x8a: {  	v47 =	vld.idx.msk [tilespmem:v8+s16+$0x0], $0xffff  }
0x8b: {  	v48 =	vld.idx.msk [tilespmem:v8+s17+$0x0], $0xffff;
	v8 =	vor.u32 $0xE, v1  }
0x8c: {  	v49 =	vld.idx.msk [tilespmem:v10+s16+$0x0], $0xffff  }
0x8d: {  	v50 =	vld.idx.msk [tilespmem:v10+s17+$0x0], $0xffff;
	v10 =	vor.u32 $0xF, v1  }
0x8e: {  	v51 =	vld.idx.msk [tilespmem:v12+s16+$0x0], $0xffff  }
0x8f: {  	v52 =	vld.idx.msk [tilespmem:v12+s17+$0x0], $0xffff;
	v12 =	vor.u32 $0x10, v1  }
0x90: {  	v53 =	vld.idx.msk [tilespmem:v8+s16+$0x0], $0xffff  }
0x91: {  	v54 =	vld.idx.msk [tilespmem:v8+s17+$0x0], $0xffff;
	v8 =	vor.u32 $0x11, v1  }
0x92: {  	v55 =	vld.idx.msk [tilespmem:v10+s16+$0x0], $0xffff  }
0x93: {  	v56 =	vld.idx.msk [tilespmem:v10+s17+$0x0], $0xffff;
	v10 =	vor.u32 $0x12, v1  }
0x94: {  	v57 =	vld.idx.msk [tilespmem:v12+s16+$0x0], $0xffff  }
0x95: {  	v58 =	vld.idx.msk [tilespmem:v12+s17+$0x0], $0xffff;
	v12 =	vor.u32 $0x13, v1  }
0x96: {  	v59 =	vld.idx.msk [tilespmem:v8+s16+$0x0], $0xffff  }
0x97: {  	v60 =	vld.idx.msk [tilespmem:v8+s17+$0x0], $0xffff;
	v8 =	vor.u32 $0x14, v1  }
0x98: {  	v32 =	vld.idx.msk [tilespmem:v10+s16+$0x0], $0xffff  }
0x99: {  	v61 =	vld.idx.msk [tilespmem:v10+s17+$0x0], $0xffff;
	v10 =	vor.u32 $0x15, v1  }
0x9a: {  	v30 =	vld.idx.msk [tilespmem:v12+s16+$0x0], $0xffff  }
0x9b: {  	v31 =	vld.idx.msk [tilespmem:v12+s17+$0x0], $0xffff;
	v12 =	vor.u32 $0x16, v1  }
0x9c: {  	v28 =	vld.idx.msk [tilespmem:v8+s16+$0x0], $0xffff  }
0x9d: {  	v29 =	vld.idx.msk [tilespmem:v8+s17+$0x0], $0xffff;
	v8 =	vor.u32 $0x17, v1  }
0x9e: {  	v26 =	vld.idx.msk [tilespmem:v10+s16+$0x0], $0xffff  }
0x9f: {  	v4 =	vmul.f32 v5, v4;
	v27 =	vld.idx.msk [tilespmem:v10+s17+$0x0], $0xffff;
	v10 =	vor.u32 $0x18, v1  }
0xa0: {  	v24 =	vld.idx.msk [tilespmem:v12+s16+$0x0], $0xffff  }
0xa1: {  	v2 =	vmul.f32 v2, v7;
	v4 =	vadd.f32 $0.0e+00, v4;
	v25 =	vld.idx.msk [tilespmem:v12+s17+$0x0], $0xffff;
	v12 =	vor.u32 $0x19, v1  }
0xa2: {  	v22 =	vld.idx.msk [tilespmem:v8+s16+$0x0], $0xffff  }
0xa3: {  	v2 =	vadd.f32 v2, v4;
	v4 =	vor.u32 $0x1F, v1;
	v23 =	vld.idx.msk [tilespmem:v8+s17+$0x0], $0xffff  }
0xa4: {  	v7 =	vor.u32 $0x1E, v1;
	v20 =	vld.idx.msk [tilespmem:v10+s16+$0x0], $0xffff  }
0xa5: {  	v3 =	vmul.f32 v3, v9;
	v21 =	vld.idx.msk [tilespmem:v10+s17+$0x0], $0xffff  }
0xa6: {  	v5 =	vor.u32 $0x1D, v1;
	v8 =	vor.u32 $0x1A, v1;
	v10 =	vor.u32 $0x1B, v1;
	v18 =	vld.idx.msk [tilespmem:v12+s16+$0x0], $0xffff  }
0xa7: {  	v19 =	vld.idx.msk [tilespmem:v12+s17+$0x0], $0xffff;
	v12 =	vor.u32 $0x1C, v1;
	v1 =	vadd.f32 v3, v2;
	v2 =	vmul.f32 v6, v11  }
0xa8: {  	v9 =	vld.idx.msk [tilespmem:v4+s17+$0x0], $0xffff  }
0xa9: {  	s0 =	simm.s32 $0x10;
	v6 =	vld.idx.msk [tilespmem:v7+s16+$0x0], $0xffff;
	v1 =	vadd.f32 v2, v1;
	v2 =	vmul.f32 v34, v33  }
0xaa: {  	v3 =	vmov s0;
	v11 =	vld.idx.msk [tilespmem:v7+s17+$0x0], $0xffff  }
0xab: {  	v3 =	vshll.u32 v3, $0x5;
	v7 =	vadd.f32 v2, v1;
	v2 =	vld [tilespmem:s28+$0x0]  }
0xac: {  	v1 =	vor.u32 v0, v3;
	v3 =	vld [tilespmem:s31+$0x0]  }
0xad: {  	v15 =	vld.idx.msk [tilespmem:v8+s16+$0x0], $0xffff  }
0xae: {  	v17 =	vld.idx.msk [tilespmem:v8+s17+$0x0], $0xffff  }
0xaf: {  	v13 =	vld.idx.msk [tilespmem:v10+s16+$0x0], $0xffff  }
0xb0: {  	v16 =	vld.idx.msk [tilespmem:v10+s17+$0x0], $0xffff  }
0xb1: {  	v10 =	vld.idx.msk [tilespmem:v12+s16+$0x0], $0xffff  }
0xb2: {  	v36 =	vmul.f32 v36, v35;
	v14 =	vld.idx.msk [tilespmem:v12+s17+$0x0], $0xffff  }
0xb3: {  	v8 =	vld.idx.msk [tilespmem:v5+s16+$0x0], $0xffff  }
0xb4: {  	v38 =	vmul.f32 v38, v37;
	v12 =	vld.idx.msk [tilespmem:v5+s17+$0x0], $0xffff;
	v7 =	vadd.f32 v36, v7  }
0xb5: {  	v5 =	vld.idx.msk [tilespmem:v4+s16+$0x0], $0xffff;
	v34 =	vor.u32 $0x1, v1  }
0xb6: {  	v40 =	vmul.f32 v40, v39;
	v4 =	vld [tilespmem:s26+$0x0];
	v33 =	vadd.f32 v38, v7  }
0xb7: {  	v39 =	vor.u32 $0x3, v1;
	v7 =	vld [tilespmem:s29+$0x0]  }
0xb8: {  	v62 =	vmul.f32 v42, v41;
	v36 =	vor.u32 $0x2, v1;
	v37 =	vld.idx.msk [tilespmem:v1+s16+$0x0], $0xffff;
	v33 =	vadd.f32 v40, v33  }
0xb9: {  	v38 =	vld.idx.msk [tilespmem:v1+s17+$0x0], $0xffff  }
0xba: {  	v63 =	vmul.f32 v44, v43;
	v40 =	vld.idx.msk [tilespmem:v34+s16+$0x0], $0xffff;
	v33 =	vadd.f32 v62, v33  }
0xbb: {  	v41 =	vor.u32 $0x4, v1;
	v34 =	vld.idx.msk [tilespmem:v34+s17+$0x0], $0xffff  }
0xbc: {  	v44 =	vld.idx.msk [tilespmem:v39+s16+$0x0], $0xffff;
	v62 =	vmul.f32 v46, v45;
	v33 =	vadd.f32 v63, v33  }
0xbd: {  	v42 =	vld.idx.msk [tilespmem:v36+s16+$0x0], $0xffff;
	v45 =	vor.u32 $0x6, v1  }
0xbe: {  	v48 =	vmul.f32 v48, v47;
	v36 =	vld.idx.msk [tilespmem:v36+s17+$0x0], $0xffff;
	v63 =	vor.u32 $0x5, v1;
	v33 =	vadd.f32 v62, v33  }
0xbf: {  	v39 =	vld.idx.msk [tilespmem:v39+s17+$0x0], $0xffff;
	v37 =	vmul.f32 v38, v37  }
0xc0: {  	v50 =	vmul.f32 v50, v49;
	v38 =	vld.idx.msk [tilespmem:v41+s16+$0x0], $0xffff;
	v33 =	vadd.f32 v48, v33  }
0xc1: {  	v47 =	vor.u32 $0x8, v1;
	v41 =	vld.idx.msk [tilespmem:v41+s17+$0x0], $0xffff;
	v34 =	vmul.f32 v34, v40;
	v37 =	vadd.f32 $0.0e+00, v37  }
0xc2: {  	v52 =	vmul.f32 v52, v51;
	v46 =	vor.u32 $0x7, v1;
	v62 =	vld.idx.msk [tilespmem:v45+s16+$0x0], $0xffff;
	v33 =	vadd.f32 v50, v33  }
0xc3: {  	v36 =	vmul.f32 v36, v42;
	v34 =	vadd.f32 v34, v37;
	v40 =	vld.idx.msk [tilespmem:v63+s16+$0x0], $0xffff  }
0xc4: {  	v32 =	vmul.f32 v61, v32;
	v43 =	vld.idx.msk [tilespmem:v63+s17+$0x0], $0xffff;
	v63 =	vmul.f32 v54, v53;
	v33 =	vadd.f32 v52, v33  }
0xc5: {  	v61 =	vor.u32 $0x10, v1;
	v49 =	vmul.f32 v39, v44;
	v45 =	vld.idx.msk [tilespmem:v45+s17+$0x0], $0xffff;
	v34 =	vadd.f32 v36, v34  }
0xc6: {  	v51 =	vmul.f32 v56, v55;
	v55 =	vld.idx.msk [tilespmem:v47+s17+$0x0], $0xffff;
	v48 =	vor.u32 $0x9, v1;
	v33 =	vadd.f32 v63, v33  }
0xc7: {  	v53 =	vmul.f32 v41, v38;
	v50 =	vld.idx.msk [tilespmem:v46+s16+$0x0], $0xffff;
	v34 =	vadd.f32 v49, v34  }
0xc8: {  	v54 =	vmul.f32 v58, v57;
	v46 =	vld.idx.msk [tilespmem:v46+s17+$0x0], $0xffff;
	v52 =	vor.u32 $0xA, v1;
	v33 =	vadd.f32 v51, v33  }
0xc9: {  	v59 =	vmul.f32 v60, v59;
	v38 =	vld.idx.msk [tilespmem:v47+s16+$0x0], $0xffff;
	v34 =	vadd.f32 v53, v34;
	v57 =	vmul.f32 v43, v40  }
0xca: {  	v56 =	vor.u32 $0xB, v1;
	v62 =	vmul.f32 v45, v62;
	v45 =	vld.idx.msk [tilespmem:v61+s16+$0x0], $0xffff;
	v33 =	vadd.f32 v54, v33  }
0xcb: {  	v58 =	vld.idx.msk [tilespmem:v48+s16+$0x0], $0xffff;
	v34 =	vadd.f32 v57, v34  }
0xcc: {  	v60 =	vor.u32 $0xC, v1;
	v42 =	vld.idx.msk [tilespmem:v48+s17+$0x0], $0xffff;
	v33 =	vadd.f32 v59, v33  }
0xcd: {  	v50 =	vmul.f32 v46, v50;
	v63 =	vld.idx.msk [tilespmem:v52+s16+$0x0], $0xffff;
	v34 =	vadd.f32 v62, v34  }
0xce: {  	v30 =	vmul.f32 v31, v30;
	v49 =	vor.u32 $0xD, v1;
	v48 =	vld.idx.msk [tilespmem:v52+s17+$0x0], $0xffff;
	v32 =	vadd.f32 v32, v33  }
0xcf: {  	v51 =	vld.idx.msk [tilespmem:v56+s16+$0x0], $0xffff;
	v54 =	vmul.f32 v55, v38;
	v34 =	vadd.f32 v50, v34  }
0xd0: {  	v28 =	vmul.f32 v29, v28;
	v53 =	vor.u32 $0xE, v1;
	v52 =	vld.idx.msk [tilespmem:v56+s17+$0x0], $0xffff;
	v30 =	vadd.f32 v30, v32  }
0xd1: {  	v56 =	vld.idx.msk [tilespmem:v60+s17+$0x0], $0xffff;
	v58 =	vmul.f32 v42, v58;
	v34 =	vadd.f32 v54, v34  }
0xd2: {  	v26 =	vmul.f32 v27, v26;
	v57 =	vor.u32 $0xF, v1;
	v55 =	vld.idx.msk [tilespmem:v60+s16+$0x0], $0xffff;
	v28 =	vadd.f32 v28, v30  }
0xd3: {  	v60 =	vld.idx.msk [tilespmem:v49+s17+$0x0], $0xffff;
	v35 =	vmul.f32 v48, v63;
	v34 =	vadd.f32 v58, v34  }
0xd4: {  	v24 =	vmul.f32 v25, v24;
	v59 =	vld.idx.msk [tilespmem:v49+s16+$0x0], $0xffff;
	v26 =	vadd.f32 v26, v28  }
0xd5: {  	v37 =	vor.u32 $0x11, v1;
	v62 =	vld.idx.msk [tilespmem:v53+s16+$0x0], $0xffff;
	v31 =	vmul.f32 v52, v51;
	v41 =	vadd.f32 v35, v34  }
0xd6: {  	v22 =	vmul.f32 v23, v22;
	v63 =	vld.idx.msk [tilespmem:v53+s17+$0x0], $0xffff;
	v24 =	vadd.f32 v24, v26  }
0xd7: {  	v44 =	vor.u32 $0x12, v1;
	v42 =	vld.idx.msk [tilespmem:v57+s16+$0x0], $0xffff;
	v29 =	vmul.f32 v56, v55;
	v31 =	vadd.f32 v31, v41  }
0xd8: {  	v20 =	vmul.f32 v21, v20;
	v43 =	vld.idx.msk [tilespmem:v57+s17+$0x0], $0xffff;
	v22 =	vadd.f32 v22, v24  }
0xd9: {  	v47 =	vor.u32 $0x13, v1;
	v46 =	vld.idx.msk [tilespmem:v61+s17+$0x0], $0xffff;
	v27 =	vmul.f32 v60, v59;
	v29 =	vadd.f32 v29, v31  }
0xda: {  	v18 =	vmul.f32 v19, v18;
	v49 =	vld.idx.msk [tilespmem:v37+s17+$0x0], $0xffff;
	v20 =	vadd.f32 v20, v22  }
0xdb: {  	v50 =	vor.u32 $0x14, v1;
	v48 =	vld.idx.msk [tilespmem:v37+s16+$0x0], $0xffff;
	v25 =	vmul.f32 v63, v62;
	v27 =	vadd.f32 v27, v29  }
0xdc: {  	v15 =	vmul.f32 v17, v15;
	v51 =	vld.idx.msk [tilespmem:v44+s16+$0x0], $0xffff;
	v18 =	vadd.f32 v18, v20  }
0xdd: {  	v52 =	vld.idx.msk [tilespmem:v44+s17+$0x0], $0xffff;
	v53 =	vor.u32 $0x15, v1;
	v23 =	vmul.f32 v43, v42;
	v25 =	vadd.f32 v25, v27  }
0xde: {  	v13 =	vmul.f32 v16, v13;
	v54 =	vld.idx.msk [tilespmem:v47+s16+$0x0], $0xffff;
	v15 =	vadd.f32 v15, v18  }
0xdf: {  	v21 =	vmul.f32 v46, v45;
	v55 =	vld.idx.msk [tilespmem:v47+s17+$0x0], $0xffff;
	v56 =	vor.u32 $0x16, v1;
	v23 =	vadd.f32 v23, v25  }
0xe0: {  	v10 =	vmul.f32 v14, v10;
	v57 =	vld.idx.msk [tilespmem:v50+s16+$0x0], $0xffff;
	v13 =	vadd.f32 v13, v15  }
0xe1: {  	v14 =	vld.idx.msk [tilespmem:v50+s17+$0x0], $0xffff;
	v19 =	vmul.f32 v49, v48;
	v21 =	vadd.f32 v21, v23;
	v15 =	vor.u32 $0x17, v1  }
0xe2: {  	v8 =	vmul.f32 v12, v8;
	v58 =	vld.idx.msk [tilespmem:v53+s16+$0x0], $0xffff;
	v10 =	vadd.f32 v10, v13  }
0xe3: {  	v12 =	vld.idx.msk [tilespmem:v53+s17+$0x0], $0xffff;
	v17 =	vmul.f32 v52, v51;
	v19 =	vadd.f32 v19, v21;
	v13 =	vor.u32 $0x18, v1  }
0xe4: {  	v6 =	vmul.f32 v11, v6;
	v59 =	vld.idx.msk [tilespmem:v56+s16+$0x0], $0xffff;
	v8 =	vadd.f32 v8, v10  }
0xe5: {  	v11 =	vor.u32 $0x19, v1;
	v16 =	vmul.f32 v55, v54;
	v17 =	vadd.f32 v17, v19;
	v10 =	vld.idx.msk [tilespmem:v56+s17+$0x0], $0xffff  }
0xe6: {  	v5 =	vmul.f32 v9, v5;
	v60 =	vld.idx.msk [tilespmem:v15+s16+$0x0], $0xffff;
	v6 =	vadd.f32 v6, v8  }
0xe7: {  	v9 =	vor.u32 $0x1A, v1;
	v14 =	vmul.f32 v14, v57;
	v8 =	vld.idx.msk [tilespmem:v15+s17+$0x0], $0xffff;
	v15 =	vadd.f32 v16, v17  }
0xe8: {  	v61 =	vld.idx.msk [tilespmem:v13+s16+$0x0], $0xffff;
	v5 =	vadd.f32 v5, v6  }
0xe9: {  	v12 =	vmul.f32 v12, v58;
	v6 =	vld.idx.msk [tilespmem:v13+s17+$0x0], $0xffff;
	v13 =	vor.u32 $0x1B, v1;
	v14 =	vadd.f32 v14, v15  }
0xea: {  	v15 =	vld.idx.msk [tilespmem:v11+s16+$0x0], $0xffff;
	v5 =	vadd.f32 v5, v7  }
0xeb: {  	v10 =	vmul.f32 v10, v59;
	v7 =	vld.idx.msk [tilespmem:v11+s17+$0x0], $0xffff;
	v11 =	vor.u32 $0x1C, v1;
	v12 =	vadd.f32 v12, v14  }
0xec: {  	v62 =	vld.idx.msk [tilespmem:v9+s17+$0x0], $0xffff;
	v4 =	vadd.f32 v5, v4  }
0xed: {  	v63 =	vor.u32 $0x1D, v1;
	v14 =	vld.idx.msk [tilespmem:v9+s16+$0x0], $0xffff;
	v8 =	vmul.f32 v8, v60;
	v5 =	vadd.f32 v10, v12  }
0xee: {  	v12 =	vld.idx.msk [tilespmem:v13+s16+$0x0], $0xffff;
	v3 =	vsub.f32 v4, v3  }
0xef: {  	v10 =	vor.u32 $0x1E, v1;
	v4 =	vld.idx.msk [tilespmem:v13+s17+$0x0], $0xffff;
	v5 =	vadd.f32 v8, v5;
	v8 =	vmul.f32 v6, v61  }
0xf0: {  	v6 =	vld.idx.msk [tilespmem:v11+s16+$0x0], $0xffff;
	v2 =	vmul.f32 v3, v2  }
0xf1: {  	v13 =	vor.u32 $0x1F, v1;
	v9 =	vld.idx.msk [tilespmem:v11+s17+$0x0], $0xffff;
	v1 =	vadd.f32 v8, v5;
	v8 =	vmul.f32 v7, v15  }
0xf2: {  	v5 =	vld.idx.msk [tilespmem:v63+s16+$0x0], $0xffff;
	v2 =	vmul.f32 v2, v3  }
0xf3: {  	v11 =	vimm.f32 $0.0e+00;
	v14 =	vmul.f32 v62, v14;
	v7 =	vld.idx.msk [tilespmem:v63+s17+$0x0], $0xffff;
	v15 =	vadd.f32 v8, v1  }
0xf4: {  	s0 =	simm.s32 $0x20;
	v3 =	vld.idx.msk [tilespmem:v10+s16+$0x0], $0xffff;
	v1 =	vadd.f32 v2, v11  }
0xf5: {  	v8 =	vld.idx.msk [tilespmem:v10+s17+$0x0], $0xffff;
	v2 =	vmov s0;
	v10 =	vadd.f32 v14, v15;
	v11 =	vmul.f32 v4, v12  }
0xf6: {  	s0 =	simm.s32 $0x30;
	v4 =	vld.idx.msk [tilespmem:v13+s16+$0x0], $0xffff;
	v2 =	vshll.u32 v2, $0x5  }
.LBB2_2:
0xf7: {  	p0 =	sne.s32 s0, $0x1F0;
	v2 =	vor.u32 v0, v2;
	v10 =	vadd.f32 v11, v10;
	v6 =	vmul.f32 v9, v6;
	v9 =	vld.idx.msk [tilespmem:v13+s17+$0x0], $0xffff;
	s28 =	sadd.s32 $0x10, s28  }
0xf8: {  	s31 =	sadd.s32 $0x10, s31;
	v11 =	vld [tilespmem:s28+$0x0]  }
0xf9: {  	s26 =	sadd.s32 $0x10, s26;
	v12 =	vor.u32 $0x1, v2;
	v5 =	vmul.f32 v7, v5;
	v6 =	vadd.f32 v6, v10;
	v7 =	vld [tilespmem:s31+$0x0]  }
0xfa: {  	s29 =	sadd.s32 $0x10, s29;
	v10 =	vld [tilespmem:s26+$0x0]  }
0xfb: {  	v13 =	vor.u32 $0x2, v2;
	v3 =	vmul.f32 v8, v3;
	v5 =	vadd.f32 v5, v6;
	v6 =	vld [tilespmem:s29+$0x0]  }
0xfc: {  	v8 =	vld.idx.msk [tilespmem:v2+s16+$0x0], $0xffff  }
0xfd: {  	v15 =	vor.u32 $0x3, v2;
	v4 =	vmul.f32 v9, v4;
	v14 =	vld.idx.msk [tilespmem:v2+s17+$0x0], $0xffff;
	v3 =	vadd.f32 v3, v5  }
0xfe: {  	v5 =	vld.idx.msk [tilespmem:v12+s16+$0x0], $0xffff  }
0xff: {  	v9 =	vld.idx.msk [tilespmem:v12+s17+$0x0], $0xffff;
	v12 =	vor.u32 $0x4, v2;
	v3 =	vadd.f32 v4, v3  }
0x100: {  	v4 =	vld.idx.msk [tilespmem:v13+s16+$0x0], $0xffff  }
0x101: {  	v16 =	vor.u32 $0x5, v2;
	v13 =	vld.idx.msk [tilespmem:v13+s17+$0x0], $0xffff;
	v3 =	vadd.f32 v3, v6  }
0x102: {  	v6 =	vld.idx.msk [tilespmem:v15+s16+$0x0], $0xffff  }
0x103: {  	v8 =	vmul.f32 v14, v8;
	v14 =	vld.idx.msk [tilespmem:v15+s17+$0x0], $0xffff;
	v15 =	vor.u32 $0x6, v2;
	v3 =	vadd.f32 v3, v10  }
0x104: {  	v17 =	vor.u32 $0x7, v2;
	v10 =	vld.idx.msk [tilespmem:v12+s16+$0x0], $0xffff  }
0x105: {  	v8 =	vadd.f32 $0.0e+00, v8;
	v5 =	vmul.f32 v9, v5;
	v9 =	vld.idx.msk [tilespmem:v12+s17+$0x0], $0xffff;
	v3 =	vsub.f32 v3, v7  }
0x106: {  	v12 =	vor.u32 $0x8, v2;
	v7 =	vld.idx.msk [tilespmem:v16+s16+$0x0], $0xffff  }
0x107: {  	v5 =	vadd.f32 v5, v8;
	v4 =	vmul.f32 v13, v4;
	v8 =	vld.idx.msk [tilespmem:v16+s17+$0x0], $0xffff;
	v11 =	vmul.f32 v3, v11  }
0x108: {  	v16 =	vor.u32 $0x9, v2;
	v13 =	vld.idx.msk [tilespmem:v15+s16+$0x0], $0xffff  }
0x109: {  	v4 =	vadd.f32 v4, v5;
	v5 =	vmul.f32 v14, v6;
	v6 =	vld.idx.msk [tilespmem:v15+s17+$0x0], $0xffff;
	v3 =	vmul.f32 v11, v3  }
0x10a: {  	v14 =	vor.u32 $0xA, v2;
	v11 =	vld.idx.msk [tilespmem:v17+s16+$0x0], $0xffff  }
0x10b: {  	v4 =	vadd.f32 v5, v4;
	v5 =	vmul.f32 v9, v10;
	v9 =	vld.idx.msk [tilespmem:v17+s17+$0x0], $0xffff;
	v1 =	vadd.f32 v3, v1  }
0x10c: {  	v3 =	vld.idx.msk [tilespmem:v12+s16+$0x0], $0xffff  }
0x10d: {  	v4 =	vadd.f32 v5, v4;
	v5 =	vmul.f32 v8, v7;
	v8 =	vor.u32 $0xB, v2;
	v7 =	vld.idx.msk [tilespmem:v12+s17+$0x0], $0xffff  }
0x10e: {  	v10 =	vld.idx.msk [tilespmem:v16+s16+$0x0], $0xffff  }
0x10f: {  	v12 =	vor.u32 $0xC, v2;
	v4 =	vadd.f32 v5, v4;
	v5 =	vmul.f32 v6, v13;
	v6 =	vld.idx.msk [tilespmem:v16+s17+$0x0], $0xffff  }
0x110: {  	v13 =	vld.idx.msk [tilespmem:v14+s16+$0x0], $0xffff  }
0x111: {  	v4 =	vadd.f32 v5, v4;
	v5 =	vmul.f32 v9, v11;
	v11 =	vor.u32 $0xD, v2;
	v9 =	vld.idx.msk [tilespmem:v14+s17+$0x0], $0xffff  }
0x112: {  	v14 =	vld.idx.msk [tilespmem:v8+s16+$0x0], $0xffff  }
0x113: {  	v4 =	vadd.f32 v5, v4;
	v3 =	vmul.f32 v7, v3;
	v7 =	vor.u32 $0xE, v2;
	v5 =	vld.idx.msk [tilespmem:v8+s17+$0x0], $0xffff  }
0x114: {  	v8 =	vld.idx.msk [tilespmem:v12+s16+$0x0], $0xffff  }
0x115: {  	v3 =	vadd.f32 v3, v4;
	v4 =	vmul.f32 v6, v10;
	v10 =	vor.u32 $0xF, v2;
	v6 =	vld.idx.msk [tilespmem:v12+s17+$0x0], $0xffff  }
0x116: {  	v12 =	vld.idx.msk [tilespmem:v11+s16+$0x0], $0xffff  }
0x117: {  	v3 =	vadd.f32 v4, v3;
	v4 =	vmul.f32 v9, v13;
	v9 =	vld.idx.msk [tilespmem:v11+s17+$0x0], $0xffff;
	v11 =	vor.u32 $0x10, v2  }
0x118: {  	v13 =	vld.idx.msk [tilespmem:v7+s16+$0x0], $0xffff  }
0x119: {  	v3 =	vadd.f32 v4, v3;
	v4 =	vmul.f32 v5, v14;
	v5 =	vld.idx.msk [tilespmem:v7+s17+$0x0], $0xffff;
	v7 =	vor.u32 $0x11, v2  }
0x11a: {  	v14 =	vld.idx.msk [tilespmem:v10+s16+$0x0], $0xffff  }
0x11b: {  	v3 =	vadd.f32 v4, v3;
	v4 =	vmul.f32 v6, v8;
	v8 =	vor.u32 $0x12, v2;
	v6 =	vld.idx.msk [tilespmem:v10+s17+$0x0], $0xffff  }
0x11c: {  	v10 =	vld.idx.msk [tilespmem:v11+s16+$0x0], $0xffff  }
0x11d: {  	v3 =	vadd.f32 v4, v3;
	v4 =	vmul.f32 v9, v12;
	v9 =	vld.idx.msk [tilespmem:v11+s17+$0x0], $0xffff;
	v11 =	vor.u32 $0x13, v2  }
0x11e: {  	v12 =	vld.idx.msk [tilespmem:v7+s16+$0x0], $0xffff  }
0x11f: {  	v3 =	vadd.f32 v4, v3;
	v4 =	vmul.f32 v5, v13;
	v5 =	vld.idx.msk [tilespmem:v7+s17+$0x0], $0xffff;
	v7 =	vor.u32 $0x14, v2  }
0x120: {  	v13 =	vld.idx.msk [tilespmem:v8+s16+$0x0], $0xffff  }
0x121: {  	v3 =	vadd.f32 v4, v3;
	v4 =	vmul.f32 v6, v14;
	v6 =	vld.idx.msk [tilespmem:v8+s17+$0x0], $0xffff;
	v8 =	vor.u32 $0x15, v2  }
0x122: {  	v14 =	vld.idx.msk [tilespmem:v11+s16+$0x0], $0xffff  }
0x123: {  	v3 =	vadd.f32 v4, v3;
	v4 =	vmul.f32 v9, v10;
	v10 =	vor.u32 $0x16, v2;
	v9 =	vld.idx.msk [tilespmem:v11+s17+$0x0], $0xffff  }
0x124: {  	v11 =	vld.idx.msk [tilespmem:v7+s16+$0x0], $0xffff  }
0x125: {  	v3 =	vadd.f32 v4, v3;
	v4 =	vmul.f32 v5, v12;
	v5 =	vld.idx.msk [tilespmem:v7+s17+$0x0], $0xffff;
	v7 =	vor.u32 $0x17, v2  }
0x126: {  	v12 =	vld.idx.msk [tilespmem:v8+s16+$0x0], $0xffff  }
0x127: {  	v3 =	vadd.f32 v4, v3;
	v4 =	vmul.f32 v6, v13;
	v6 =	vld.idx.msk [tilespmem:v8+s17+$0x0], $0xffff;
	v8 =	vor.u32 $0x18, v2  }
0x128: {  	v13 =	vld.idx.msk [tilespmem:v10+s16+$0x0], $0xffff  }
0x129: {  	v3 =	vadd.f32 v4, v3;
	v4 =	vmul.f32 v9, v14;
	v9 =	vld.idx.msk [tilespmem:v10+s17+$0x0], $0xffff;
	v10 =	vor.u32 $0x19, v2  }
0x12a: {  	v14 =	vld.idx.msk [tilespmem:v7+s16+$0x0], $0xffff  }
0x12b: {  	v3 =	vadd.f32 v4, v3;
	v4 =	vmul.f32 v5, v11;
	v5 =	vld.idx.msk [tilespmem:v7+s17+$0x0], $0xffff;
	v7 =	vor.u32 $0x1A, v2  }
0x12c: {  	v11 =	vld.idx.msk [tilespmem:v8+s16+$0x0], $0xffff  }
0x12d: {  	v3 =	vadd.f32 v4, v3;
	v4 =	vmul.f32 v6, v12;
	v6 =	vld.idx.msk [tilespmem:v8+s17+$0x0], $0xffff;
	v8 =	vor.u32 $0x1B, v2  }
0x12e: {  	v12 =	vld.idx.msk [tilespmem:v10+s16+$0x0], $0xffff  }
0x12f: {  	v3 =	vadd.f32 v4, v3;
	v4 =	vmul.f32 v9, v13;
	v9 =	vld.idx.msk [tilespmem:v10+s17+$0x0], $0xffff;
	v10 =	vor.u32 $0x1C, v2  }
0x130: {  	v15 =	vld.idx.msk [tilespmem:v7+s16+$0x0], $0xffff  }
0x131: {  	v3 =	vadd.f32 v4, v3;
	v4 =	vmul.f32 v5, v14;
	v14 =	vor.u32 $0x1D, v2;
	v7 =	vld.idx.msk [tilespmem:v7+s17+$0x0], $0xffff  }
0x132: {  	v16 =	vld.idx.msk [tilespmem:v8+s16+$0x0], $0xffff  }
0x133: {  	v17 =	vor.u32 $0x1E, v2;
	v3 =	vadd.f32 v4, v3;
	v4 =	vmul.f32 v6, v11;
	v8 =	vld.idx.msk [tilespmem:v8+s17+$0x0], $0xffff  }
0x134: {  	v6 =	vld.idx.msk [tilespmem:v10+s16+$0x0], $0xffff  }
0x135: {  	v13 =	vor.u32 $0x1F, v2;
	v3 =	vadd.f32 v4, v3;
	v4 =	vmul.f32 v9, v12;
	v9 =	vld.idx.msk [tilespmem:v10+s17+$0x0], $0xffff  }
.Ltmp0:
0x136: {  	v5 =	vld.idx.msk [tilespmem:v14+s16+$0x0], $0xffff;
	(pc) =	sbr.rel @p0 .LBB2_2-.Ltmp0, $4  }
0x137: {  	v2 =	vadd.f32 v4, v3;
	v4 =	vmul.f32 v7, v15;
	v7 =	vld.idx.msk [tilespmem:v14+s17+$0x0], $0xffff  }
0x138: {  	v3 =	vld.idx.msk [tilespmem:v17+s16+$0x0], $0xffff  }
0x139: {  	v12 =	vmov s0;
	v10 =	vadd.f32 v4, v2;
	v11 =	vmul.f32 v8, v16;
	v8 =	vld.idx.msk [tilespmem:v17+s17+$0x0], $0xffff  }
0x13a: {  	s0 =	sadd.s32 $0x10, s0;
	v2 =	vshll.u32 v12, $0x5;
	v4 =	vld.idx.msk [tilespmem:v13+s16+$0x0], $0xffff  }
0x13b: {  	v12 =	vor.u32 v0, v2;
	_ =	sdelay $0x1  }
0x13c: {  	v14 =	vor.u32 $0x1, v12;
	_ =	sdelay $0x1  }
0x13d: {  	v2 =	vld.idx.msk [tilespmem:v13+s17+$0x0], $0xffff;
	v52 =	vor.u32 $0x2, v12  }
0x13e: {  	v15 =	vld.idx.msk [tilespmem:v12+s16+$0x0], $0xffff  }
0x13f: {  	v17 =	vor.u32 $0x3, v12;
	v16 =	vld.idx.msk [tilespmem:v12+s17+$0x0], $0xffff  }
0x140: {  	v18 =	vld.idx.msk [tilespmem:v14+s16+$0x0], $0xffff  }
0x141: {  	v19 =	vor.u32 $0x4, v12;
	v14 =	vld.idx.msk [tilespmem:v14+s17+$0x0], $0xffff  }
0x142: {  	v20 =	vld.idx.msk [tilespmem:v52+s16+$0x0], $0xffff  }
0x143: {  	v21 =	vor.u32 $0x5, v12;
	v13 =	vld.idx.msk [tilespmem:v52+s17+$0x0], $0xffff  }
0x144: {  	v22 =	vld.idx.msk [tilespmem:v17+s16+$0x0], $0xffff;
	v15 =	vmul.f32 v16, v15  }
0x145: {  	v54 =	vor.u32 $0x6, v12;
	v53 =	vld.idx.msk [tilespmem:v17+s17+$0x0], $0xffff  }
0x146: {  	v23 =	vld.idx.msk [tilespmem:v19+s16+$0x0], $0xffff;
	v14 =	vmul.f32 v14, v18;
	v15 =	vadd.f32 $0.0e+00, v15  }
0x147: {  	v55 =	vor.u32 $0x7, v12;
	v19 =	vld.idx.msk [tilespmem:v19+s17+$0x0], $0xffff  }
0x148: {  	v56 =	vld.idx.msk [tilespmem:v21+s16+$0x0], $0xffff;
	v13 =	vmul.f32 v13, v20;
	v14 =	vadd.f32 v14, v15  }
0x149: {  	v57 =	vor.u32 $0x8, v12;
	v21 =	vld.idx.msk [tilespmem:v21+s17+$0x0], $0xffff  }
0x14a: {  	v58 =	vld.idx.msk [tilespmem:v54+s16+$0x0], $0xffff;
	v16 =	vmul.f32 v53, v22;
	v13 =	vadd.f32 v13, v14  }
0x14b: {  	v59 =	vor.u32 $0x9, v12;
	v17 =	vld.idx.msk [tilespmem:v54+s17+$0x0], $0xffff  }
0x14c: {  	v60 =	vld.idx.msk [tilespmem:v55+s16+$0x0], $0xffff;
	v19 =	vmul.f32 v19, v23;
	v13 =	vadd.f32 v16, v13  }
0x14d: {  	v61 =	vor.u32 $0xA, v12;
	v18 =	vld.idx.msk [tilespmem:v55+s17+$0x0], $0xffff  }
0x14e: {  	v62 =	vld.idx.msk [tilespmem:v57+s16+$0x0], $0xffff;
	v15 =	vmul.f32 v21, v56;
	v13 =	vadd.f32 v19, v13  }
0x14f: {  	v63 =	vor.u32 $0xB, v12;
	v20 =	vld.idx.msk [tilespmem:v57+s17+$0x0], $0xffff  }
0x150: {  	v24 =	vld.idx.msk [tilespmem:v59+s16+$0x0], $0xffff;
	v14 =	vmul.f32 v17, v58;
	v13 =	vadd.f32 v15, v13  }
0x151: {  	v26 =	vor.u32 $0xC, v12;
	v25 =	vld.idx.msk [tilespmem:v59+s17+$0x0], $0xffff  }
0x152: {  	v27 =	vld.idx.msk [tilespmem:v61+s16+$0x0], $0xffff;
	v16 =	vmul.f32 v18, v60;
	v13 =	vadd.f32 v14, v13  }
0x153: {  	v29 =	vor.u32 $0xD, v12;
	v28 =	vld.idx.msk [tilespmem:v61+s17+$0x0], $0xffff  }
0x154: {  	v30 =	vld.idx.msk [tilespmem:v63+s16+$0x0], $0xffff;
	v19 =	vmul.f32 v20, v62;
	v13 =	vadd.f32 v16, v13  }
0x155: {  	v32 =	vor.u32 $0xE, v12;
	v31 =	vld.idx.msk [tilespmem:v63+s17+$0x0], $0xffff  }
0x156: {  	v33 =	vld.idx.msk [tilespmem:v26+s16+$0x0], $0xffff;
	v15 =	vmul.f32 v25, v24;
	v13 =	vadd.f32 v19, v13  }
0x157: {  	v35 =	vor.u32 $0xF, v12;
	v34 =	vld.idx.msk [tilespmem:v26+s17+$0x0], $0xffff  }
0x158: {  	v36 =	vld.idx.msk [tilespmem:v29+s16+$0x0], $0xffff;
	v14 =	vmul.f32 v28, v27;
	v13 =	vadd.f32 v15, v13  }
0x159: {  	v38 =	vor.u32 $0x10, v12;
	v37 =	vld.idx.msk [tilespmem:v29+s17+$0x0], $0xffff  }
0x15a: {  	v39 =	vld.idx.msk [tilespmem:v32+s16+$0x0], $0xffff;
	v16 =	vmul.f32 v31, v30;
	v13 =	vadd.f32 v14, v13  }
0x15b: {  	v41 =	vor.u32 $0x11, v12;
	v40 =	vld.idx.msk [tilespmem:v32+s17+$0x0], $0xffff  }
0x15c: {  	v42 =	vld.idx.msk [tilespmem:v35+s16+$0x0], $0xffff;
	v17 =	vmul.f32 v34, v33;
	v13 =	vadd.f32 v16, v13  }
0x15d: {  	v44 =	vor.u32 $0x12, v12;
	v43 =	vld.idx.msk [tilespmem:v35+s17+$0x0], $0xffff  }
0x15e: {  	v45 =	vld.idx.msk [tilespmem:v38+s16+$0x0], $0xffff;
	v15 =	vmul.f32 v37, v36;
	v13 =	vadd.f32 v17, v13  }
0x15f: {  	v47 =	vor.u32 $0x13, v12;
	v46 =	vld.idx.msk [tilespmem:v38+s17+$0x0], $0xffff  }
0x160: {  	v48 =	vld.idx.msk [tilespmem:v41+s16+$0x0], $0xffff;
	v14 =	vmul.f32 v40, v39;
	v13 =	vadd.f32 v15, v13  }
0x161: {  	v50 =	vor.u32 $0x14, v12;
	v49 =	vld.idx.msk [tilespmem:v41+s17+$0x0], $0xffff  }
0x162: {  	v51 =	vld.idx.msk [tilespmem:v44+s16+$0x0], $0xffff;
	v16 =	vmul.f32 v43, v42;
	v13 =	vadd.f32 v14, v13  }
0x163: {  	v52 =	vld.idx.msk [tilespmem:v44+s17+$0x0], $0xffff;
	v53 =	vor.u32 $0x15, v12  }
0x164: {  	v54 =	vld.idx.msk [tilespmem:v47+s16+$0x0], $0xffff;
	v17 =	vmul.f32 v46, v45;
	v13 =	vadd.f32 v16, v13  }
0x165: {  	v55 =	vld.idx.msk [tilespmem:v47+s17+$0x0], $0xffff;
	v56 =	vor.u32 $0x16, v12  }
0x166: {  	v57 =	vld.idx.msk [tilespmem:v50+s16+$0x0], $0xffff;
	v15 =	vmul.f32 v49, v48;
	v13 =	vadd.f32 v17, v13  }
0x167: {  	v59 =	vor.u32 $0x17, v12;
	v58 =	vld.idx.msk [tilespmem:v50+s17+$0x0], $0xffff  }
0x168: {  	v61 =	vld.idx.msk [tilespmem:v53+s17+$0x0], $0xffff;
	v14 =	vmul.f32 v52, v51;
	v13 =	vadd.f32 v15, v13  }
0x169: {  	v60 =	vld.idx.msk [tilespmem:v53+s16+$0x0], $0xffff;
	v62 =	vor.u32 $0x18, v12  }
0x16a: {  	v63 =	vld.idx.msk [tilespmem:v56+s16+$0x0], $0xffff;
	v16 =	vmul.f32 v55, v54;
	v13 =	vadd.f32 v14, v13  }
0x16b: {  	v24 =	vld.idx.msk [tilespmem:v56+s17+$0x0], $0xffff;
	v25 =	vor.u32 $0x19, v12  }
0x16c: {  	v26 =	vld.idx.msk [tilespmem:v59+s16+$0x0], $0xffff;
	v17 =	vmul.f32 v58, v57;
	v13 =	vadd.f32 v16, v13  }
0x16d: {  	v27 =	vld.idx.msk [tilespmem:v59+s17+$0x0], $0xffff;
	v28 =	vor.u32 $0x1A, v12  }
0x16e: {  	v29 =	vld.idx.msk [tilespmem:v62+s16+$0x0], $0xffff;
	v15 =	vmul.f32 v61, v60;
	v13 =	vadd.f32 v17, v13  }
0x16f: {  	v30 =	vld.idx.msk [tilespmem:v62+s17+$0x0], $0xffff;
	v31 =	vor.u32 $0x1B, v12  }
0x170: {  	v32 =	vld.idx.msk [tilespmem:v25+s16+$0x0], $0xffff;
	v14 =	vmul.f32 v24, v63;
	v13 =	vadd.f32 v15, v13  }
0x171: {  	v34 =	vor.u32 $0x1C, v12;
	v33 =	vld.idx.msk [tilespmem:v25+s17+$0x0], $0xffff  }
0x172: {  	v35 =	vld.idx.msk [tilespmem:v28+s16+$0x0], $0xffff;
	v16 =	vmul.f32 v27, v26;
	v13 =	vadd.f32 v14, v13  }
0x173: {  	v36 =	vld.idx.msk [tilespmem:v28+s17+$0x0], $0xffff;
	v37 =	vor.u32 $0x1D, v12  }
0x174: {  	v38 =	vld.idx.msk [tilespmem:v31+s16+$0x0], $0xffff;
	v17 =	vmul.f32 v30, v29;
	v13 =	vadd.f32 v16, v13  }
0x175: {  	v39 =	vld.idx.msk [tilespmem:v31+s17+$0x0], $0xffff;
	v40 =	vor.u32 $0x1E, v12  }
0x176: {  	v41 =	vld.idx.msk [tilespmem:v34+s16+$0x0], $0xffff;
	v15 =	vmul.f32 v33, v32;
	v13 =	vadd.f32 v17, v13  }
0x177: {  	v12 =	vor.u32 $0x1F, v12;
	v42 =	vld.idx.msk [tilespmem:v34+s17+$0x0], $0xffff  }
0x178: {  	v43 =	vld.idx.msk [tilespmem:v37+s16+$0x0], $0xffff;
	v14 =	vmul.f32 v36, v35;
	v13 =	vadd.f32 v15, v13  }
0x179: {  	v10 =	vadd.f32 v11, v10;
	v44 =	vld.idx.msk [tilespmem:v37+s17+$0x0], $0xffff  }
0x17a: {  	v6 =	vmul.f32 v9, v6;
	v46 =	vmul.f32 v39, v38;
	v47 =	vld.idx.msk [tilespmem:v40+s16+$0x0], $0xffff;
	v45 =	vadd.f32 v14, v13  }
0x17b: {  	v5 =	vmul.f32 v7, v5;
	v48 =	vld.idx.msk [tilespmem:v40+s17+$0x0], $0xffff  }
0x17c: {  	v6 =	vadd.f32 v6, v10;
	v49 =	vld.idx.msk [tilespmem:v12+s16+$0x0], $0xffff;
	v50 =	vmul.f32 v42, v41;
	v11 =	vadd.f32 v46, v45  }
0x17d: {  	v3 =	vmul.f32 v8, v3;
	v51 =	vld.idx.msk [tilespmem:v12+s17+$0x0], $0xffff  }
0x17e: {  	s0 =	sadd.s32 $0x10, s29;
	v5 =	vadd.f32 v5, v6;
	v9 =	vmul.f32 v44, v43;
	v52 =	vadd.f32 v50, v11  }
0x17f: {  	v2 =	vmul.f32 v2, v4;
	v53 =	vld [tilespmem:s0+$0x0];
	s0 =	sadd.s32 $0x10, s0  }
0x180: {  	s26 =	sadd.s32 $0x10, s26;
	v3 =	vadd.f32 v3, v5;
	v56 =	vld [tilespmem:s0+$0x0];
	v7 =	vmul.f32 v48, v47;
	v55 =	vadd.f32 v9, v52  }
0x181: {  	v54 =	vld [tilespmem:s26+$0x0];
	s26 =	sadd.s32 $0x10, s26  }
0x182: {  	s31 =	sadd.s32 $0x10, s31;
	v2 =	vadd.f32 v2, v3;
	v59 =	vld [tilespmem:s26+$0x0];
	v58 =	vmul.f32 v51, v49;
	v3 =	vadd.f32 v7, v55  }
0x183: {  	s28 =	sadd.s32 $0x10, s28;
	v57 =	vld [tilespmem:s31+$0x0]  }
0x184: {  	s29 =	sadd.s32 $0x10, s31;
	v2 =	vadd.f32 v2, v53;
	v60 =	vld [tilespmem:s28+$0x0];
	v3 =	vadd.f32 v58, v3  }
0x185: {  	v61 =	vld [tilespmem:s29+$0x0]  }
0x186: {  	s31 =	sadd.s32 $0x10, s28;
	v2 =	vadd.f32 v2, v54;
	v3 =	vadd.f32 v3, v56  }
0x187: {  	v62 =	vld [tilespmem:s31+$0x0]  }
0x188: {  	v2 =	vsub.f32 v2, v57;
	v3 =	vadd.f32 v3, v59;
	_ =	sdelay $0x1  }
0x189: {  	v63 =	vmul.f32 v2, v60;
	v3 =	vsub.f32 v3, v61;
	_ =	sdelay $0x1  }
0x18a: {  	v2 =	vmul.f32 v63, v2;
	v4 =	vmul.f32 v3, v62;
	_ =	sdelay $0x1  }
0x18b: {  	v1 =	vadd.f32 v2, v1;
	v2 =	vmul.f32 v4, v3;
	_ =	sdelay $0x1  }
0x18c: {  	s24 =	sadd.s32 $0x1, s24;
	v1 =	vadd.f32 v2, v1  }
0x18d: {  	p0 =	sne.s32 s24, s12  }
.Ltmp1:
0x18e: {  	[tilespmem:$0x8C00] =	vst v1;
	(pc) =	sbr.rel @p0 .LBB2_1-.Ltmp1, $4  }
0x18f: {  	[hbm4b:s11+s4] =	stream.linear.scatter [tilespmem:s22], [sflag:$0x2], $0x10, $0x38;
	[tilespmem:$0x8C10] =	vst v63  }
0x190: {  	_ =	swait.ge [sflag:s13], $0x10  }
0x191: {  	[sflag:s13] =	ssyncset.done $0x0  }
0x192: {  	[sflag:s13] =	ssyncadd.s32 $0xFFFFFFF0  }
0x193: {  	_ =	sfence.sel $0x180000  }
0x194: {  	[bflag:$0x0] =	sbarrier.arrive $0xFFFF  }
0x195: {  	_ =	strace $0x90000047  }
0x196: {  	s0 =	stileid.u32;
	[bflag:$0x2] =	sbarrier.arrive $0xFFFF  }
0x197: {  	p0 =	sne.s32 s0, $0x0;
	s0 =	rddreg [dreg:$0x6]  }
0x198: {  	s0 =	sadd.s32 @!p0 $0x100000, s0  }
0x199: {  	[sflag:s0] =	ssyncadd.tile.s32 @!p0 $0x1;
	_ =	shalt  }
.Lfunc_end2:
_tile_overlayer_lowered:
.L_overlay_start_2:
0x19a: {  	(tag) =	ssettag $0x2  }
0x19b: {  	s0 =	rddreg [dreg:$0x0];
	s2 =	stileid.u32  }
0x19c: {  	s1 =	rddreg [dreg:$0x1];
	p0 =	sne.s32 s2, $0x0  }
0x19d: {  	s3 =	rddreg [dreg:$0x2];
	[bflag:$0x3] =	sbarrier.arrive $0xFFFF;
	s2 =	simm.s32 @!p0 $0x1C02  }
0x19e: {  	[timem:s3], [sflag:s2] =	dma.local @!p0 [hbm:s0], s1  }
0x19f: {  	s0 =	simm.s32 @!p0 $0x2  }
0x1a0: {  	_ =	swait.ge @!p0 [sflag:s0], s1  }
0x1a1: {  	s1 =	ssub.s32 @!p0 $0x0, s1;
	[sflag:s0] =	ssyncset.done @!p0 $0x0  }
0x1a2: {  	[sflag:s0] =	ssyncadd.s32 @!p0 s1  }
0x1a3: {  	[bflag:$0x3] =	sbarrier.arrive $0xFFFF  }
0x1a4: {  	_ =	shalt  }

</sc_bundles>
